<compile_context>
chip_gen: v7x
topology: tpu7x:2x2x1
jax: 0.10.2.dev20260603
libtpu: 0.0.44.dev20260713+nightly
codegen_flags: <defaults>
</compile_context>

<pallas_src>
import jax
import jax.numpy as jnp
from jax import lax
from jax.experimental import pallas as pl
from jax.experimental.pallas import tpu as pltpu
from jax.experimental.pallas import tpu_sc as plsc

F32 = jnp.float32
NC, NS = 2, 16
NW = NC * NS
CH = 128
BLK = 1000
LEAK = 0.2
EPS_N = 1e-12



def _sc_edge_l1_body(sd, e32, h0, z128, z32,
                     g_out, es_out,
                     g_sp, es_sp, idx, rows, erows, sem):
    c = lax.axis_index("c")
    s = lax.axis_index("s")
    wid = s * NC + c
    n = g_sp.shape[0]
    r = n // NS
    pltpu.sync_copy(z128.at[pl.ds(s * r, r)], g_sp.at[pl.ds(s * r, r)])
    pltpu.sync_copy(z32.at[pl.ds(s * r, r)], es_sp.at[pl.ds(s * r, r)])
    plsc.subcore_barrier()
    cnt = sd.shape[0] // NW

    def body(i, carry):
        j = wid + i * NW
        pltpu.sync_copy(sd.at[j], idx)
        pltpu.sync_copy(e32.at[pl.ds(j * CH, CH)], erows)
        pltpu.async_copy(h0.at[idx.at[0]], rows, sem).wait()
        pltpu.sync_copy(rows, g_sp.at[idx.at[1]], add=True)
        pltpu.sync_copy(erows, es_sp.at[idx.at[1]], add=True)
        return carry

    lax.fori_loop(0, cnt, body, 0)
    plsc.subcore_barrier()
    pltpu.sync_copy(g_sp.at[pl.ds(s * r, r)], g_out.at[c, pl.ds(s * r, r)])
    pltpu.sync_copy(es_sp.at[pl.ds(s * r, r)], es_out.at[c, pl.ds(s * r, r)])


def _sc_layer_body(sd, h, z128,
                   g_out,
                   g_sp, idx, rows, sem):
    c = lax.axis_index("c")
    s = lax.axis_index("s")
    wid = s * NC + c
    n = g_sp.shape[0]
    r = n // NS
    pltpu.sync_copy(z128.at[pl.ds(s * r, r)], g_sp.at[pl.ds(s * r, r)])
    plsc.subcore_barrier()
    cnt = sd.shape[0] // NW

    def body(i, carry):
        pltpu.sync_copy(sd.at[wid + i * NW], idx)
        pltpu.async_copy(h.at[idx.at[0]], rows, sem).wait()
        pltpu.sync_copy(rows, g_sp.at[idx.at[1]], add=True)
        return carry

    lax.fori_loop(0, cnt, body, 0)
    plsc.subcore_barrier()
    pltpu.sync_copy(g_sp.at[pl.ds(s * r, r)], g_out.at[c, pl.ds(s * r, r)])


def _sc_mesh():
    return plsc.VectorSubcoreMesh(
        core_axis_name="c", subcore_axis_name="s",
        num_cores=NC, num_subcores=NS)


_SC_PARAMS = pltpu.CompilerParams(use_tc_tiling_on_sc=False)


def _make_sc_edge_l1(n, hid):
    return pl.kernel(
        _sc_edge_l1_body,
        out_type=(jax.ShapeDtypeStruct((NC, n, hid), F32),
                  jax.ShapeDtypeStruct((NC, n, 32), F32)),
        mesh=_sc_mesh(),
        compiler_params=_SC_PARAMS,
        scratch_types=[
            pltpu.VMEM_SHARED((n, hid), F32),
            pltpu.VMEM_SHARED((n, 32), F32),
            pltpu.VMEM((2, CH), jnp.int32),
            pltpu.VMEM((CH, hid), F32),
            pltpu.VMEM((CH, 32), F32),
            pltpu.SemaphoreType.DMA,
        ],
    )


def _make_sc_layer(n, hid):
    return pl.kernel(
        _sc_layer_body,
        out_type=jax.ShapeDtypeStruct((NC, n, hid), F32),
        mesh=_sc_mesh(),
        compiler_params=_SC_PARAMS,
        scratch_types=[
            pltpu.VMEM_SHARED((n, hid), F32),
            pltpu.VMEM((2, CH), jnp.int32),
            pltpu.VMEM((CH, hid), F32),
            pltpu.SemaphoreType.DMA,
        ],
    )



def _proj_body(x_ref, w_ref, b_ref, o_ref):
    o_ref[...] = (jnp.dot(x_ref[...], w_ref[...],
                          preferred_element_type=F32) + b_ref[...])


def _norm_lrelu(u):
    nrm = jnp.sqrt(jnp.sum(u * u, axis=-1, keepdims=True))
    upd = u / jnp.maximum(nrm, EPS_N)
    return jnp.where(upd >= 0, upd, LEAK * upd)


def _upd1_body(g_ref, es_ref, h0_ref, we_ref, be_ref,
               eagg_ref, h1_ref, hs_ref):
    ed = we_ref.shape[0]
    es_t = es_ref[0, :, :ed] + es_ref[1, :, :ed]
    deg_t = es_ref[0, :, ed:ed + 1] + es_ref[1, :, ed:ed + 1]
    eagg = (jnp.dot(es_t, we_ref[...], preferred_element_type=F32)
            + deg_t * be_ref[...])
    h1 = _norm_lrelu(g_ref[0] + g_ref[1] + eagg)
    eagg_ref[...] = eagg
    h1_ref[...] = h1
    hs_ref[...] = h0_ref[...] + h1


def _updk_body(g_ref, eagg_ref, hsp_ref, h_ref, hs_ref):
    hk = _norm_lrelu(g_ref[0] + g_ref[1] + eagg_ref[...])
    h_ref[...] = hk
    hs_ref[...] = hsp_ref[...] + hk


def _head_body(nrows, g_ref, eagg_ref, hsp_ref, c_ref,
               w1a_ref, w1b_ref, b1_ref, gam_ref, bet_ref, a_ref,
               w2_ref, b2_ref, o_ref, s1_ref, s2_ref, z_ref):
    p = pl.program_id(0)
    i = pl.program_id(1)
    blk = o_ref.shape[0]

    @pl.when(jnp.logical_and(p == 0, i == 0))
    def _():
        s1_ref[...] = jnp.zeros_like(s1_ref)
        s2_ref[...] = jnp.zeros_like(s2_ref)

    @pl.when(p == 0)
    def _():
        h3 = _norm_lrelu(g_ref[0] + g_ref[1] + eagg_ref[...])
        hs = hsp_ref[...] + h3
        z1 = (jnp.dot(hs, w1a_ref[...], preferred_element_type=F32)
              + jnp.dot(c_ref[...], w1b_ref[...], preferred_element_type=F32)
              + b1_ref[...])
        z_ref[pl.ds(i * blk, blk), :] = z1
        s1_ref[...] += jnp.sum(z1, axis=0, keepdims=True)
        s2_ref[...] += jnp.sum(z1 * z1, axis=0, keepdims=True)

    @pl.when(p == 1)
    def _():
        z1 = z_ref[pl.ds(i * blk, blk), :]
        mu = s1_ref[...] * (1.0 / nrows)
        var = s2_ref[...] * (1.0 / nrows) - mu * mu
        zn = (z1 - mu) * lax.rsqrt(var + 1e-5) * gam_ref[...] + bet_ref[...]
        zp = jnp.where(zn >= 0, zn, a_ref[...] * zn)
        o_ref[...] = (jnp.dot(zp, w2_ref[...], preferred_element_type=F32)
                      + b2_ref[...])



def kernel(x, edge_index, e, c, W_node, b_node, W_edge, b_edge,
           W1, b1, gamma, beta, prelu_a, W2, b2):
    n, dn = x.shape
    ee, ed = e.shape
    hid = W_node.shape[1]
    hier = c.shape[1]
    h2d = W1.shape[1]
    ncls = W2.shape[1]
    nb = n // BLK

    npad = ((n + 127) // 128) * 128
    epad = ((ee + NW * CH - 1) // (NW * CH)) * (NW * CH)
    src = jnp.concatenate(
        [edge_index[0], jnp.zeros((epad - ee,), jnp.int32)])
    dst = jnp.concatenate(
        [edge_index[1],
         n + (jnp.arange(epad - ee, dtype=jnp.int32) % (npad - n))])
    e32 = jnp.concatenate(
        [e, jnp.ones((ee, 1), F32), jnp.zeros((ee, 32 - ed - 1), F32)],
        axis=1)
    e32 = jnp.concatenate([e32, jnp.zeros((epad - ee, 32), F32)])
    sd = jnp.stack([src.reshape(-1, CH), dst.reshape(-1, CH)], axis=1)
    z128 = jnp.zeros((npad, hid), F32)
    z32 = jnp.zeros((npad, 32), F32)

    h0 = pl.pallas_call(
        _proj_body,
        grid=(nb,),
        in_specs=[pl.BlockSpec((BLK, dn), lambda i: (i, 0)),
                  pl.BlockSpec((dn, hid), lambda i: (0, 0)),
                  pl.BlockSpec((1, hid), lambda i: (0, 0))],
        out_specs=pl.BlockSpec((BLK, hid), lambda i: (i, 0)),
        out_shape=jax.ShapeDtypeStruct((n, hid), F32),
    )(x, W_node, b_node.reshape(1, hid))

    g1, es = _make_sc_edge_l1(npad, hid)(sd, e32, h0, z128, z32)

    eagg, h1, hs1 = pl.pallas_call(
        _upd1_body,
        grid=(nb,),
        in_specs=[pl.BlockSpec((NC, BLK, hid), lambda i: (0, i, 0)),
                  pl.BlockSpec((NC, BLK, 32), lambda i: (0, i, 0)),
                  pl.BlockSpec((BLK, hid), lambda i: (i, 0)),
                  pl.BlockSpec((ed, hid), lambda i: (0, 0)),
                  pl.BlockSpec((1, hid), lambda i: (0, 0))],
        out_specs=[pl.BlockSpec((BLK, hid), lambda i: (i, 0))] * 3,
        out_shape=[jax.ShapeDtypeStruct((n, hid), F32)] * 3,
    )(g1, es, h0, W_edge, b_edge.reshape(1, hid))

    sc_layer = _make_sc_layer(npad, hid)

    g2 = sc_layer(sd, h1, z128)
    h2, hs2 = pl.pallas_call(
        _updk_body,
        grid=(nb,),
        in_specs=[pl.BlockSpec((NC, BLK, hid), lambda i: (0, i, 0)),
                  pl.BlockSpec((BLK, hid), lambda i: (i, 0)),
                  pl.BlockSpec((BLK, hid), lambda i: (i, 0))],
        out_specs=[pl.BlockSpec((BLK, hid), lambda i: (i, 0))] * 2,
        out_shape=[jax.ShapeDtypeStruct((n, hid), F32)] * 2,
    )(g2, eagg, hs1)

    g3 = sc_layer(sd, h2, z128)

    import functools
    out = pl.pallas_call(
        functools.partial(_head_body, float(n)),
        grid=(2, nb),
        in_specs=[pl.BlockSpec((NC, BLK, hid), lambda p, i: (0, i * (1 - p), 0)),
                  pl.BlockSpec((BLK, hid), lambda p, i: (i * (1 - p), 0)),
                  pl.BlockSpec((BLK, hid), lambda p, i: (i * (1 - p), 0)),
                  pl.BlockSpec((BLK, hier), lambda p, i: (i * (1 - p), 0)),
                  pl.BlockSpec((hid, h2d), lambda p, i: (0, 0)),
                  pl.BlockSpec((hier, h2d), lambda p, i: (0, 0)),
                  pl.BlockSpec((1, h2d), lambda p, i: (0, 0)),
                  pl.BlockSpec((1, h2d), lambda p, i: (0, 0)),
                  pl.BlockSpec((1, h2d), lambda p, i: (0, 0)),
                  pl.BlockSpec((1, h2d), lambda p, i: (0, 0)),
                  pl.BlockSpec((h2d, ncls), lambda p, i: (0, 0)),
                  pl.BlockSpec((1, ncls), lambda p, i: (0, 0))],
        out_specs=pl.BlockSpec((BLK, ncls), lambda p, i: (i, 0)),
        out_shape=jax.ShapeDtypeStruct((n, ncls), F32),
        scratch_shapes=[pltpu.VMEM((1, h2d), F32),
                        pltpu.VMEM((1, h2d), F32),
                        pltpu.VMEM((n, h2d), F32)],
    )(g3, eagg, hs2, c,
      W1[:hid], W1[hid:], b1.reshape(1, h2d),
      gamma.reshape(1, h2d), beta.reshape(1, h2d),
      jnp.broadcast_to(prelu_a.reshape(1, 1), (1, h2d)),
      W2, b2.reshape(1, ncls))
    return out

# --- scband reference (transcript-rebuilt; emitter-appended) ---
"""Pipeline reference for scband-graph-nn-45603962748997 (READ-ONLY COPY).

The authoritative reference and input builder live on the scoring server;
editing this copy changes nothing except your own understanding.
"""

import jax, jax.numpy as jnp
import numpy as np

N = 10000
E = 320000
NODE_DIM = 128
EDGE_DIM = 16
HID = 128
HIER = 64
NUM_CLASS = 40
NUM_LAYERS = 3


def setup_inputs(seed: int = 0):
    key = jax.random.key(seed)
    ks = jax.random.split(key, 10)
    inp = {}
    inp["x"] = jax.random.normal(ks[0], (N, NODE_DIM), jnp.float32)
    inp["edge_index"] = jax.random.randint(ks[1], (2, E), 0, N, dtype=jnp.int32)
    inp["e"] = jax.random.normal(ks[2], (E, EDGE_DIM), jnp.float32)
    inp["c"] = jax.random.normal(ks[3], (N, HIER), jnp.float32)
    inp["W_node"] = jax.random.normal(ks[4], (NODE_DIM, HID), jnp.float32) * 0.05
    inp["b_node"] = jnp.zeros((HID,), jnp.float32)
    inp["W_edge"] = jax.random.normal(ks[5], (EDGE_DIM, HID), jnp.float32) * 0.05
    inp["b_edge"] = jnp.zeros((HID,), jnp.float32)
    inp["W1"] = jax.random.normal(ks[6], (HIER + HID, 2 * HID), jnp.float32) * 0.05
    inp["b1"] = jnp.zeros((2 * HID,), jnp.float32)
    inp["gamma"] = jnp.ones((2 * HID,), jnp.float32)
    inp["beta"] = jnp.zeros((2 * HID,), jnp.float32)
    inp["prelu_a"] = jnp.array(0.25, jnp.float32)
    inp["W2"] = jax.random.normal(ks[7], (2 * HID, NUM_CLASS), jnp.float32) * 0.05
    inp["b2"] = jnp.zeros((NUM_CLASS,), jnp.float32)
    return inp


def _forward(x, e, c, edge_index, W_node, b_node, W_edge, b_edge, W1, b1, gamma, beta, prelu_a, W2, b2):
    src = edge_index[0]
    dst = edge_index[1]
    # input projections
    h = x @ W_node + b_node
    e_h = e @ W_edge + b_edge
    # degree of destination nodes for mean aggregation (clamped to 1 like PyG)
    deg = jax.ops.segment_sum(jnp.ones((E,), jnp.float32), dst, num_segments=N)
    deg = jnp.maximum(deg, 1.0)
    h_list = [h]
    for _ in range(NUM_LAYERS):
        h_prev = h_list[-1]
        # GraphSAGE message: x_j + edge_attr  (x_j gathered from source nodes)
        msg = h_prev[src] + e_h
        # mean aggregation to destination nodes
        agg = jax.ops.segment_sum(msg, dst, num_segments=N) / deg[:, None]
        # update: F.normalize(aggr_out, p=2, dim=-1)
        nrm = jnp.sqrt(jnp.sum(agg * agg, axis=-1, keepdims=True))
        upd = agg / jnp.maximum(nrm, 1e-12)
        h_new = jax.nn.leaky_relu(upd, 0.2)
        h_list.append(h_new)
    # sum of all layer outputs (including input projection)
    h_sum = h_list[0]
    for t in h_list[1:]:
        h_sum = h_sum + t
    # output head: Linear -> BatchNorm1d (training-mode batch stats) -> PReLU -> Linear
    z = jnp.concatenate([h_sum, c], axis=-1)
    z1 = z @ W1 + b1
    mu = jnp.mean(z1, axis=0)
    var = jnp.var(z1, axis=0)
    zn = (z1 - mu) / jnp.sqrt(var + 1e-5) * gamma + beta
    zp = jnp.where(zn > 0, zn, prelu_a * zn)
    out = zp @ W2 + b2
    return out


def reference(x, edge_index, e, c, W_node, b_node, W_edge, b_edge, W1, b1, gamma, beta, prelu_a, W2, b2):
    return _forward(x, e, c, edge_index, W_node, b_node, W_edge, b_edge, W1, b1, gamma, beta, prelu_a, W2, b2)

if __name__ == "__main__":
    import jax
    _d = setup_inputs()
    print(jax.jit(kernel)(*tuple(_d.values())))

</pallas_src>

<mosaic_0001>
#map = affine_map<(d0, d1) -> (0, 0, 0)>
#map1 = affine_map<(d0, d1) -> (0, 0)>
module attributes {stable_mosaic.version = 14 : i64} {
  func.func @_sc_edge_l1_body(%arg0: i32, %arg1: i32, %arg2: memref<2528x2x128xi32, #tpu.memory_space<hbm>>, %arg3: memref<323584x32xf32, #tpu.memory_space<hbm>>, %arg4: memref<10000x128xf32, #tpu.memory_space<hbm>>, %arg5: memref<10112x128xf32, #tpu.memory_space<hbm>>, %arg6: memref<10112x32xf32, #tpu.memory_space<hbm>>, %arg7: memref<2x10112x128xf32, #tpu.memory_space<hbm>>, %arg8: memref<2x10112x32xf32, #tpu.memory_space<hbm>>, %arg9: memref<10112x128xf32, #tpu.memory_space<vmem_shared>>, %arg10: memref<10112x32xf32, #tpu.memory_space<vmem_shared>>, %arg11: memref<2x128xi32, #tpu.memory_space<vmem>>, %arg12: memref<128x128xf32, #tpu.memory_space<vmem>>, %arg13: memref<128x32xf32, #tpu.memory_space<vmem>>, %arg14: memref<!tpu.dma_semaphore, #tpu.memory_space<semaphore_mem>>) attributes {dimension_semantics = [#tpu.dimension_semantics<core_parallel>, #tpu.dimension_semantics<subcore_parallel>], iteration_bounds = array<i64: 2, 16>, scalar_prefetch = 0 : i64, scratch_operands = 6 : i64, tpu.core_type = #tpu.core_type<sc_vector_subcore>, window_params = [{transform_indices = #map}, {transform_indices = #map1}, {transform_indices = #map1}, {transform_indices = #map1}, {transform_indices = #map1}, {transform_indices = #map}, {transform_indices = #map}]} {
    %mul3A = arith.constant 2 : i32
    %mul3A_0 = arith.muli %arg1, %mul3A : i32
    %add3A = arith.addi %mul3A_0, %arg0 : i32
    %mul3A_1 = arith.constant 632 : i32
    %mul3A_2 = arith.muli %arg1, %mul3A_1 : i32
    %mul3A_3 = arith.constant 632 : i32
    %mul3A_4 = arith.muli %arg1, %mul3A_3 : i32
    "tpu.region"() ({
      %run_scoped3A = tpu.sem_alloc : memref<!tpu.dma_semaphore, #tpu.memory_space<semaphore_mem>>
      %dma_start3A = arith.constant 0 : i32
      %dma_start3A_23 = tpu.memref_slice %arg9[%mul3A_4, %dma_start3A] : memref<10112x128xf32, #tpu.memory_space<vmem_shared>> -> memref<632x128xf32, #tpu.memory_space<vmem_shared>>
      %dma_start3A_24 = arith.constant 0 : i32
      %dma_start3A_25 = tpu.memref_slice %arg5[%mul3A_2, %dma_start3A_24] : memref<10112x128xf32, #tpu.memory_space<hbm>> -> memref<632x128xf32, #tpu.memory_space<hbm>>
      tpu.enqueue_dma source(%dma_start3A_25 : memref<632x128xf32, #tpu.memory_space<hbm>>) target(%dma_start3A_23 : memref<632x128xf32, #tpu.memory_space<vmem_shared>>) target_semaphore(%run_scoped3A : memref<!tpu.dma_semaphore, #tpu.memory_space<semaphore_mem>>)
      %dma_wait3A = arith.constant 0 : i32
      %dma_wait3A_26 = tpu.memref_slice %arg9[%mul3A_4, %dma_wait3A] : memref<10112x128xf32, #tpu.memory_space<vmem_shared>> -> memref<632x128xf32, #tpu.memory_space<vmem_shared>>
      %dma_wait3A_27 = arith.constant 0 : i32
      %dma_wait3A_28 = tpu.memref_slice %arg5[%mul3A_2, %dma_wait3A_27] : memref<10112x128xf32, #tpu.memory_space<hbm>> -> memref<632x128xf32, #tpu.memory_space<hbm>>
      tpu.wait_dma2 semaphore(%run_scoped3A : memref<!tpu.dma_semaphore, #tpu.memory_space<semaphore_mem>>) src(%dma_wait3A_28 : memref<632x128xf32, #tpu.memory_space<hbm>>) dst(%dma_wait3A_26 : memref<632x128xf32, #tpu.memory_space<vmem_shared>>)
      tpu.yield
    }) : () -> ()
    %mul3A_5 = arith.constant 632 : i32
    %mul3A_6 = arith.muli %arg1, %mul3A_5 : i32
    %mul3A_7 = arith.constant 632 : i32
    %mul3A_8 = arith.muli %arg1, %mul3A_7 : i32
    "tpu.region"() ({
      %run_scoped3A = tpu.sem_alloc : memref<!tpu.dma_semaphore, #tpu.memory_space<semaphore_mem>>
      %dma_start3A = arith.constant 0 : i32
      %dma_start3A_23 = tpu.memref_slice %arg10[%mul3A_8, %dma_start3A] : memref<10112x32xf32, #tpu.memory_space<vmem_shared>> -> memref<632x32xf32, #tpu.memory_space<vmem_shared>>
      %dma_start3A_24 = arith.constant 0 : i32
      %dma_start3A_25 = tpu.memref_slice %arg6[%mul3A_6, %dma_start3A_24] : memref<10112x32xf32, #tpu.memory_space<hbm>> -> memref<632x32xf32, #tpu.memory_space<hbm>>
      tpu.enqueue_dma source(%dma_start3A_25 : memref<632x32xf32, #tpu.memory_space<hbm>>) target(%dma_start3A_23 : memref<632x32xf32, #tpu.memory_space<vmem_shared>>) target_semaphore(%run_scoped3A : memref<!tpu.dma_semaphore, #tpu.memory_space<semaphore_mem>>)
      %dma_wait3A = arith.constant 0 : i32
      %dma_wait3A_26 = tpu.memref_slice %arg10[%mul3A_8, %dma_wait3A] : memref<10112x32xf32, #tpu.memory_space<vmem_shared>> -> memref<632x32xf32, #tpu.memory_space<vmem_shared>>
      %dma_wait3A_27 = arith.constant 0 : i32
      %dma_wait3A_28 = tpu.memref_slice %arg6[%mul3A_6, %dma_wait3A_27] : memref<10112x32xf32, #tpu.memory_space<hbm>> -> memref<632x32xf32, #tpu.memory_space<hbm>>
      tpu.wait_dma2 semaphore(%run_scoped3A : memref<!tpu.dma_semaphore, #tpu.memory_space<semaphore_mem>>) src(%dma_wait3A_28 : memref<632x32xf32, #tpu.memory_space<hbm>>) dst(%dma_wait3A_26 : memref<632x32xf32, #tpu.memory_space<vmem_shared>>)
      tpu.yield
    }) : () -> ()
    %barrier3A = arith.constant 0 : index
    tpu.barrier barrier_id(%barrier3A)
    %scan3A = arith.constant 0 : i32
    %scan3A_9 = arith.constant 0 : i32
    %scan3A_10 = arith.constant 79 : i32
    %scan3A_11 = arith.addi %scan3A_9, %scan3A_10 : i32
    %scan3A_12 = arith.constant 1 : i32
    scf.for %scan3A_23 = %scan3A_9 to %scan3A_11 step %scan3A_12  : i32 {
      %mul3A_24 = arith.constant 32 : i32
      %mul3A_25 = arith.muli %scan3A_23, %mul3A_24 : i32
      %add3A_26 = arith.addi %add3A, %mul3A_25 : i32
      "tpu.region"() ({
        %run_scoped3A_42 = tpu.sem_alloc : memref<!tpu.dma_semaphore, #tpu.memory_space<semaphore_mem>>
        %dma_start3A_43 = arith.constant 0 : i32
        %dma_start3A_44 = arith.constant 0 : i32
        %dma_start3A_45 = tpu.memref_slice %arg2[%add3A_26, %dma_start3A_43, %dma_start3A_44] : memref<2528x2x128xi32, #tpu.memory_space<hbm>> -> memref<1x2x128xi32, #tpu.memory_space<hbm>>
        %dma_start3A_46 = tpu.memref_squeeze %dma_start3A_45 : memref<1x2x128xi32, #tpu.memory_space<hbm>> -> memref<2x128xi32, #tpu.memory_space<hbm>>
        %dma_start3A_47 = arith.constant 0 : i32
        %dma_start3A_48 = arith.constant 0 : i32
        %dma_start3A_49 = tpu.memref_slice %arg2[%add3A_26, %dma_start3A_47, %dma_start3A_48] : memref<2528x2x128xi32, #tpu.memory_space<hbm>> -> memref<1x2x128xi32, #tpu.memory_space<hbm>>
        %dma_start3A_50 = tpu.memref_squeeze %dma_start3A_49 : memref<1x2x128xi32, #tpu.memory_space<hbm>> -> memref<2x128xi32, #tpu.memory_space<hbm>>
        tpu.enqueue_dma source(%dma_start3A_50 : memref<2x128xi32, #tpu.memory_space<hbm>>) target(%arg11 : memref<2x128xi32, #tpu.memory_space<vmem>>) target_semaphore(%run_scoped3A_42 : memref<!tpu.dma_semaphore, #tpu.memory_space<semaphore_mem>>)
        %dma_wait3A_51 = arith.constant 0 : i32
        %dma_wait3A_52 = arith.constant 0 : i32
        %dma_wait3A_53 = tpu.memref_slice %arg2[%add3A_26, %dma_wait3A_51, %dma_wait3A_52] : memref<2528x2x128xi32, #tpu.memory_space<hbm>> -> memref<1x2x128xi32, #tpu.memory_space<hbm>>
        %dma_wait3A_54 = tpu.memref_squeeze %dma_wait3A_53 : memref<1x2x128xi32, #tpu.memory_space<hbm>> -> memref<2x128xi32, #tpu.memory_space<hbm>>
        %dma_wait3A_55 = arith.constant 0 : i32
        %dma_wait3A_56 = arith.constant 0 : i32
        %dma_wait3A_57 = tpu.memref_slice %arg2[%add3A_26, %dma_wait3A_55, %dma_wait3A_56] : memref<2528x2x128xi32, #tpu.memory_space<hbm>> -> memref<1x2x128xi32, #tpu.memory_space<hbm>>
        %dma_wait3A_58 = tpu.memref_squeeze %dma_wait3A_57 : memref<1x2x128xi32, #tpu.memory_space<hbm>> -> memref<2x128xi32, #tpu.memory_space<hbm>>
        tpu.wait_dma2 semaphore(%run_scoped3A_42 : memref<!tpu.dma_semaphore, #tpu.memory_space<semaphore_mem>>) src(%dma_wait3A_58 : memref<2x128xi32, #tpu.memory_space<hbm>>) dst(%arg11 : memref<2x128xi32, #tpu.memory_space<vmem>>)
        tpu.yield
      }) : () -> ()
      %mul3A_27 = arith.constant 128 : i32
      %mul3A_28 = arith.muli %add3A_26, %mul3A_27 : i32
      "tpu.region"() ({
        %run_scoped3A_42 = tpu.sem_alloc : memref<!tpu.dma_semaphore, #tpu.memory_space<semaphore_mem>>
        %dma_start3A_43 = arith.constant 0 : i32
        %dma_start3A_44 = tpu.memref_slice %arg3[%mul3A_28, %dma_start3A_43] : memref<323584x32xf32, #tpu.memory_space<hbm>> -> memref<128x32xf32, #tpu.memory_space<hbm>>
        %dma_start3A_45 = arith.constant 0 : i32
        %dma_start3A_46 = tpu.memref_slice %arg3[%mul3A_28, %dma_start3A_45] : memref<323584x32xf32, #tpu.memory_space<hbm>> -> memref<128x32xf32, #tpu.memory_space<hbm>>
        tpu.enqueue_dma source(%dma_start3A_46 : memref<128x32xf32, #tpu.memory_space<hbm>>) target(%arg13 : memref<128x32xf32, #tpu.memory_space<vmem>>) target_semaphore(%run_scoped3A_42 : memref<!tpu.dma_semaphore, #tpu.memory_space<semaphore_mem>>)
        %dma_wait3A_47 = arith.constant 0 : i32
        %dma_wait3A_48 = tpu.memref_slice %arg3[%mul3A_28, %dma_wait3A_47] : memref<323584x32xf32, #tpu.memory_space<hbm>> -> memref<128x32xf32, #tpu.memory_space<hbm>>
        %dma_wait3A_49 = arith.constant 0 : i32
        %dma_wait3A_50 = tpu.memref_slice %arg3[%mul3A_28, %dma_wait3A_49] : memref<323584x32xf32, #tpu.memory_space<hbm>> -> memref<128x32xf32, #tpu.memory_space<hbm>>
        tpu.wait_dma2 semaphore(%run_scoped3A_42 : memref<!tpu.dma_semaphore, #tpu.memory_space<semaphore_mem>>) src(%dma_wait3A_50 : memref<128x32xf32, #tpu.memory_space<hbm>>) dst(%arg13 : memref<128x32xf32, #tpu.memory_space<vmem>>)
        tpu.yield
      }) : () -> ()
      %dma_start3A = arith.constant 0 : i32
      %dma_start3A_29 = arith.constant 0 : i32
      %dma_start3A_30 = tpu.memref_slice %arg11[%dma_start3A, %dma_start3A_29] : memref<2x128xi32, #tpu.memory_space<vmem>> -> memref<1x128xi32, #tpu.memory_space<vmem>>
      %dma_start3A_31 = tpu.memref_squeeze %dma_start3A_30 : memref<1x128xi32, #tpu.memory_space<vmem>> -> memref<128xi32, #tpu.memory_space<vmem>>
      %dma_start3A_32 = arith.constant 0 : i32
      %dma_start3A_33 = arith.constant 0 : i32
      %dma_start3A_34 = tpu.memref_slice %arg4[%dma_start3A_32, %dma_start3A_33] : memref<10000x128xf32, #tpu.memory_space<hbm>> -> memref<10000x128xf32, #tpu.memory_space<hbm>>
      tpu.enqueue_indirect_dma source(%dma_start3A_34 : memref<10000x128xf32, #tpu.memory_space<hbm>>) target(%arg12 : memref<128x128xf32, #tpu.memory_space<vmem>>) offsets(%dma_start3A_31 : memref<128xi32, #tpu.memory_space<vmem>>) semaphore(%arg14 : memref<!tpu.dma_semaphore, #tpu.memory_space<semaphore_mem>>)
      %dma_wait3A = arith.constant 0 : i32
      %dma_wait3A_35 = arith.constant 0 : i32
      %dma_wait3A_36 = tpu.memref_slice %arg11[%dma_wait3A, %dma_wait3A_35] : memref<2x128xi32, #tpu.memory_space<vmem>> -> memref<1x128xi32, #tpu.memory_space<vmem>>
      %dma_wait3A_37 = tpu.memref_squeeze %dma_wait3A_36 : memref<1x128xi32, #tpu.memory_space<vmem>> -> memref<128xi32, #tpu.memory_space<vmem>>
      %dma_wait3A_38 = arith.constant 0 : i32
      %dma_wait3A_39 = arith.constant 0 : i32
      %dma_wait3A_40 = tpu.memref_slice %arg4[%dma_wait3A_38, %dma_wait3A_39] : memref<10000x128xf32, #tpu.memory_space<hbm>> -> memref<10000x128xf32, #tpu.memory_space<hbm>>
      tpu.wait_indirect_dma semaphore(%arg14 : memref<!tpu.dma_semaphore, #tpu.memory_space<semaphore_mem>>) src(%dma_wait3A_40 : memref<10000x128xf32, #tpu.memory_space<hbm>>) dst(%arg12 : memref<128x128xf32, #tpu.memory_space<vmem>>)
      %run_scoped3A = arith.constant 1 : i32
      "tpu.region"() ({
        %run_scoped3A_42 = tpu.sem_alloc : memref<!tpu.dma_semaphore, #tpu.memory_space<semaphore_mem>>
        %dma_start3A_43 = arith.constant 0 : i32
        %dma_start3A_44 = tpu.memref_slice %arg11[%run_scoped3A, %dma_start3A_43] : memref<2x128xi32, #tpu.memory_space<vmem>> -> memref<1x128xi32, #tpu.memory_space<vmem>>
        %dma_start3A_45 = tpu.memref_squeeze %dma_start3A_44 : memref<1x128xi32, #tpu.memory_space<vmem>> -> memref<128xi32, #tpu.memory_space<vmem>>
        %dma_start3A_46 = arith.constant 0 : i32
        %dma_start3A_47 = arith.constant 0 : i32
        %dma_start3A_48 = tpu.memref_slice %arg9[%dma_start3A_46, %dma_start3A_47] : memref<10112x128xf32, #tpu.memory_space<vmem_shared>> -> memref<10112x128xf32, #tpu.memory_space<vmem_shared>>
        tpu.enqueue_indirect_dma source(%arg12 : memref<128x128xf32, #tpu.memory_space<vmem>>) target(%dma_start3A_48 : memref<10112x128xf32, #tpu.memory_space<vmem_shared>>) offsets(%dma_start3A_45 : memref<128xi32, #tpu.memory_space<vmem>>) semaphore(%run_scoped3A_42 : memref<!tpu.dma_semaphore, #tpu.memory_space<semaphore_mem>>) {add = true}
        %dma_wait3A_49 = arith.constant 0 : i32
        %dma_wait3A_50 = tpu.memref_slice %arg11[%run_scoped3A, %dma_wait3A_49] : memref<2x128xi32, #tpu.memory_space<vmem>> -> memref<1x128xi32, #tpu.memory_space<vmem>>
        %dma_wait3A_51 = tpu.memref_squeeze %dma_wait3A_50 : memref<1x128xi32, #tpu.memory_space<vmem>> -> memref<128xi32, #tpu.memory_space<vmem>>
        %dma_wait3A_52 = arith.constant 0 : i32
        %dma_wait3A_53 = arith.constant 0 : i32
        %dma_wait3A_54 = tpu.memref_slice %arg9[%dma_wait3A_52, %dma_wait3A_53] : memref<10112x128xf32, #tpu.memory_space<vmem_shared>> -> memref<10112x128xf32, #tpu.memory_space<vmem_shared>>
        tpu.wait_indirect_dma semaphore(%run_scoped3A_42 : memref<!tpu.dma_semaphore, #tpu.memory_space<semaphore_mem>>) src(%arg12 : memref<128x128xf32, #tpu.memory_space<vmem>>) dst(%dma_wait3A_54 : memref<10112x128xf32, #tpu.memory_space<vmem_shared>>)
        tpu.yield
      }) : () -> ()
      %run_scoped3A_41 = arith.constant 1 : i32
      "tpu.region"() ({
        %run_scoped3A_42 = tpu.sem_alloc : memref<!tpu.dma_semaphore, #tpu.memory_space<semaphore_mem>>
        %dma_start3A_43 = arith.constant 0 : i32
        %dma_start3A_44 = tpu.memref_slice %arg11[%run_scoped3A_41, %dma_start3A_43] : memref<2x128xi32, #tpu.memory_space<vmem>> -> memref<1x128xi32, #tpu.memory_space<vmem>>
        %dma_start3A_45 = tpu.memref_squeeze %dma_start3A_44 : memref<1x128xi32, #tpu.memory_space<vmem>> -> memref<128xi32, #tpu.memory_space<vmem>>
        %dma_start3A_46 = arith.constant 0 : i32
        %dma_start3A_47 = arith.constant 0 : i32
        %dma_start3A_48 = tpu.memref_slice %arg10[%dma_start3A_46, %dma_start3A_47] : memref<10112x32xf32, #tpu.memory_space<vmem_shared>> -> memref<10112x32xf32, #tpu.memory_space<vmem_shared>>
        tpu.enqueue_indirect_dma source(%arg13 : memref<128x32xf32, #tpu.memory_space<vmem>>) target(%dma_start3A_48 : memref<10112x32xf32, #tpu.memory_space<vmem_shared>>) offsets(%dma_start3A_45 : memref<128xi32, #tpu.memory_space<vmem>>) semaphore(%run_scoped3A_42 : memref<!tpu.dma_semaphore, #tpu.memory_space<semaphore_mem>>) {add = true}
        %dma_wait3A_49 = arith.constant 0 : i32
        %dma_wait3A_50 = tpu.memref_slice %arg11[%run_scoped3A_41, %dma_wait3A_49] : memref<2x128xi32, #tpu.memory_space<vmem>> -> memref<1x128xi32, #tpu.memory_space<vmem>>
        %dma_wait3A_51 = tpu.memref_squeeze %dma_wait3A_50 : memref<1x128xi32, #tpu.memory_space<vmem>> -> memref<128xi32, #tpu.memory_space<vmem>>
        %dma_wait3A_52 = arith.constant 0 : i32
        %dma_wait3A_53 = arith.constant 0 : i32
        %dma_wait3A_54 = tpu.memref_slice %arg10[%dma_wait3A_52, %dma_wait3A_53] : memref<10112x32xf32, #tpu.memory_space<vmem_shared>> -> memref<10112x32xf32, #tpu.memory_space<vmem_shared>>
        tpu.wait_indirect_dma semaphore(%run_scoped3A_42 : memref<!tpu.dma_semaphore, #tpu.memory_space<semaphore_mem>>) src(%arg13 : memref<128x32xf32, #tpu.memory_space<vmem>>) dst(%dma_wait3A_54 : memref<10112x32xf32, #tpu.memory_space<vmem_shared>>)
        tpu.yield
      }) : () -> ()
    }
    %scan3A_13 = arith.constant 79 : i32
    %barrier3A_14 = arith.constant 0 : index
    tpu.barrier barrier_id(%barrier3A_14)
    %mul3A_15 = arith.constant 632 : i32
    %mul3A_16 = arith.muli %arg1, %mul3A_15 : i32
    %mul3A_17 = arith.constant 632 : i32
    %mul3A_18 = arith.muli %arg1, %mul3A_17 : i32
    "tpu.region"() ({
      %run_scoped3A = tpu.sem_alloc : memref<!tpu.dma_semaphore, #tpu.memory_space<semaphore_mem>>
      %dma_start3A = arith.constant 0 : i32
      %dma_start3A_23 = tpu.memref_slice %arg7[%arg0, %mul3A_18, %dma_start3A] : memref<2x10112x128xf32, #tpu.memory_space<hbm>> -> memref<1x632x128xf32, #tpu.memory_space<hbm>>
      %dma_start3A_24 = tpu.memref_squeeze %dma_start3A_23 : memref<1x632x128xf32, #tpu.memory_space<hbm>> -> memref<632x128xf32, #tpu.memory_space<hbm>>
      %dma_start3A_25 = arith.constant 0 : i32
      %dma_start3A_26 = tpu.memref_slice %arg9[%mul3A_16, %dma_start3A_25] : memref<10112x128xf32, #tpu.memory_space<vmem_shared>> -> memref<632x128xf32, #tpu.memory_space<vmem_shared>>
      tpu.enqueue_dma source(%dma_start3A_26 : memref<632x128xf32, #tpu.memory_space<vmem_shared>>) target(%dma_start3A_24 : memref<632x128xf32, #tpu.memory_space<hbm>>) target_semaphore(%run_scoped3A : memref<!tpu.dma_semaphore, #tpu.memory_space<semaphore_mem>>)
      %dma_wait3A = arith.constant 0 : i32
      %dma_wait3A_27 = tpu.memref_slice %arg7[%arg0, %mul3A_18, %dma_wait3A] : memref<2x10112x128xf32, #tpu.memory_space<hbm>> -> memref<1x632x128xf32, #tpu.memory_space<hbm>>
      %dma_wait3A_28 = tpu.memref_squeeze %dma_wait3A_27 : memref<1x632x128xf32, #tpu.memory_space<hbm>> -> memref<632x128xf32, #tpu.memory_space<hbm>>
      %dma_wait3A_29 = arith.constant 0 : i32
      %dma_wait3A_30 = tpu.memref_slice %arg9[%mul3A_16, %dma_wait3A_29] : memref<10112x128xf32, #tpu.memory_space<vmem_shared>> -> memref<632x128xf32, #tpu.memory_space<vmem_shared>>
      tpu.wait_dma2 semaphore(%run_scoped3A : memref<!tpu.dma_semaphore, #tpu.memory_space<semaphore_mem>>) src(%dma_wait3A_30 : memref<632x128xf32, #tpu.memory_space<vmem_shared>>) dst(%dma_wait3A_28 : memref<632x128xf32, #tpu.memory_space<hbm>>)
      tpu.yield
    }) : () -> ()
    %mul3A_19 = arith.constant 632 : i32
    %mul3A_20 = arith.muli %arg1, %mul3A_19 : i32
    %mul3A_21 = arith.constant 632 : i32
    %mul3A_22 = arith.muli %arg1, %mul3A_21 : i32
    "tpu.region"() ({
      %run_scoped3A = tpu.sem_alloc : memref<!tpu.dma_semaphore, #tpu.memory_space<semaphore_mem>>
      %dma_start3A = arith.constant 0 : i32
      %dma_start3A_23 = tpu.memref_slice %arg8[%arg0, %mul3A_22, %dma_start3A] : memref<2x10112x32xf32, #tpu.memory_space<hbm>> -> memref<1x632x32xf32, #tpu.memory_space<hbm>>
      %dma_start3A_24 = tpu.memref_squeeze %dma_start3A_23 : memref<1x632x32xf32, #tpu.memory_space<hbm>> -> memref<632x32xf32, #tpu.memory_space<hbm>>
      %dma_start3A_25 = arith.constant 0 : i32
      %dma_start3A_26 = tpu.memref_slice %arg10[%mul3A_20, %dma_start3A_25] : memref<10112x32xf32, #tpu.memory_space<vmem_shared>> -> memref<632x32xf32, #tpu.memory_space<vmem_shared>>
      tpu.enqueue_dma source(%dma_start3A_26 : memref<632x32xf32, #tpu.memory_space<vmem_shared>>) target(%dma_start3A_24 : memref<632x32xf32, #tpu.memory_space<hbm>>) target_semaphore(%run_scoped3A : memref<!tpu.dma_semaphore, #tpu.memory_space<semaphore_mem>>)
      %dma_wait3A = arith.constant 0 : i32
      %dma_wait3A_27 = tpu.memref_slice %arg8[%arg0, %mul3A_22, %dma_wait3A] : memref<2x10112x32xf32, #tpu.memory_space<hbm>> -> memref<1x632x32xf32, #tpu.memory_space<hbm>>
      %dma_wait3A_28 = tpu.memref_squeeze %dma_wait3A_27 : memref<1x632x32xf32, #tpu.memory_space<hbm>> -> memref<632x32xf32, #tpu.memory_space<hbm>>
      %dma_wait3A_29 = arith.constant 0 : i32
      %dma_wait3A_30 = tpu.memref_slice %arg10[%mul3A_20, %dma_wait3A_29] : memref<10112x32xf32, #tpu.memory_space<vmem_shared>> -> memref<632x32xf32, #tpu.memory_space<vmem_shared>>
      tpu.wait_dma2 semaphore(%run_scoped3A : memref<!tpu.dma_semaphore, #tpu.memory_space<semaphore_mem>>) src(%dma_wait3A_30 : memref<632x32xf32, #tpu.memory_space<vmem_shared>>) dst(%dma_wait3A_28 : memref<632x32xf32, #tpu.memory_space<hbm>>)
      tpu.yield
    }) : () -> ()
    return
  }
}

#map = affine_map<(d0, d1) -> (0, 0, 0)>
#map1 = affine_map<(d0, d1) -> (0, 0)>
module attributes {stable_mosaic.version = 14 : i64} {
  func.func @_sc_layer_body(%arg0: i32, %arg1: i32, %arg2: memref<2528x2x128xi32, #tpu.memory_space<hbm>>, %arg3: memref<10000x128xf32, #tpu.memory_space<hbm>>, %arg4: memref<10112x128xf32, #tpu.memory_space<hbm>>, %arg5: memref<2x10112x128xf32, #tpu.memory_space<hbm>>, %arg6: memref<10112x128xf32, #tpu.memory_space<vmem_shared>>, %arg7: memref<2x128xi32, #tpu.memory_space<vmem>>, %arg8: memref<128x128xf32, #tpu.memory_space<vmem>>, %arg9: memref<!tpu.dma_semaphore, #tpu.memory_space<semaphore_mem>>) attributes {dimension_semantics = [#tpu.dimension_semantics<core_parallel>, #tpu.dimension_semantics<subcore_parallel>], iteration_bounds = array<i64: 2, 16>, scalar_prefetch = 0 : i64, scratch_operands = 4 : i64, tpu.core_type = #tpu.core_type<sc_vector_subcore>, window_params = [{transform_indices = #map}, {transform_indices = #map1}, {transform_indices = #map1}, {transform_indices = #map}]} {
    %mul3A = arith.constant 2 : i32
    %mul3A_0 = arith.muli %arg1, %mul3A : i32
    %add3A = arith.addi %mul3A_0, %arg0 : i32
    %mul3A_1 = arith.constant 632 : i32
    %mul3A_2 = arith.muli %arg1, %mul3A_1 : i32
    %mul3A_3 = arith.constant 632 : i32
    %mul3A_4 = arith.muli %arg1, %mul3A_3 : i32
    "tpu.region"() ({
      %run_scoped3A = tpu.sem_alloc : memref<!tpu.dma_semaphore, #tpu.memory_space<semaphore_mem>>
      %dma_start3A = arith.constant 0 : i32
      %dma_start3A_15 = tpu.memref_slice %arg6[%mul3A_4, %dma_start3A] : memref<10112x128xf32, #tpu.memory_space<vmem_shared>> -> memref<632x128xf32, #tpu.memory_space<vmem_shared>>
      %dma_start3A_16 = arith.constant 0 : i32
      %dma_start3A_17 = tpu.memref_slice %arg4[%mul3A_2, %dma_start3A_16] : memref<10112x128xf32, #tpu.memory_space<hbm>> -> memref<632x128xf32, #tpu.memory_space<hbm>>
      tpu.enqueue_dma source(%dma_start3A_17 : memref<632x128xf32, #tpu.memory_space<hbm>>) target(%dma_start3A_15 : memref<632x128xf32, #tpu.memory_space<vmem_shared>>) target_semaphore(%run_scoped3A : memref<!tpu.dma_semaphore, #tpu.memory_space<semaphore_mem>>)
      %dma_wait3A = arith.constant 0 : i32
      %dma_wait3A_18 = tpu.memref_slice %arg6[%mul3A_4, %dma_wait3A] : memref<10112x128xf32, #tpu.memory_space<vmem_shared>> -> memref<632x128xf32, #tpu.memory_space<vmem_shared>>
      %dma_wait3A_19 = arith.constant 0 : i32
      %dma_wait3A_20 = tpu.memref_slice %arg4[%mul3A_2, %dma_wait3A_19] : memref<10112x128xf32, #tpu.memory_space<hbm>> -> memref<632x128xf32, #tpu.memory_space<hbm>>
      tpu.wait_dma2 semaphore(%run_scoped3A : memref<!tpu.dma_semaphore, #tpu.memory_space<semaphore_mem>>) src(%dma_wait3A_20 : memref<632x128xf32, #tpu.memory_space<hbm>>) dst(%dma_wait3A_18 : memref<632x128xf32, #tpu.memory_space<vmem_shared>>)
      tpu.yield
    }) : () -> ()
    %barrier3A = arith.constant 0 : index
    tpu.barrier barrier_id(%barrier3A)
    %scan3A = arith.constant 0 : i32
    %scan3A_5 = arith.constant 0 : i32
    %scan3A_6 = arith.constant 79 : i32
    %scan3A_7 = arith.addi %scan3A_5, %scan3A_6 : i32
    %scan3A_8 = arith.constant 1 : i32
    scf.for %scan3A_15 = %scan3A_5 to %scan3A_7 step %scan3A_8  : i32 {
      %mul3A_16 = arith.constant 32 : i32
      %mul3A_17 = arith.muli %scan3A_15, %mul3A_16 : i32
      %add3A_18 = arith.addi %add3A, %mul3A_17 : i32
      "tpu.region"() ({
        %run_scoped3A_31 = tpu.sem_alloc : memref<!tpu.dma_semaphore, #tpu.memory_space<semaphore_mem>>
        %dma_start3A_32 = arith.constant 0 : i32
        %dma_start3A_33 = arith.constant 0 : i32
        %dma_start3A_34 = tpu.memref_slice %arg2[%add3A_18, %dma_start3A_32, %dma_start3A_33] : memref<2528x2x128xi32, #tpu.memory_space<hbm>> -> memref<1x2x128xi32, #tpu.memory_space<hbm>>
        %dma_start3A_35 = tpu.memref_squeeze %dma_start3A_34 : memref<1x2x128xi32, #tpu.memory_space<hbm>> -> memref<2x128xi32, #tpu.memory_space<hbm>>
        %dma_start3A_36 = arith.constant 0 : i32
        %dma_start3A_37 = arith.constant 0 : i32
        %dma_start3A_38 = tpu.memref_slice %arg2[%add3A_18, %dma_start3A_36, %dma_start3A_37] : memref<2528x2x128xi32, #tpu.memory_space<hbm>> -> memref<1x2x128xi32, #tpu.memory_space<hbm>>
        %dma_start3A_39 = tpu.memref_squeeze %dma_start3A_38 : memref<1x2x128xi32, #tpu.memory_space<hbm>> -> memref<2x128xi32, #tpu.memory_space<hbm>>
        tpu.enqueue_dma source(%dma_start3A_39 : memref<2x128xi32, #tpu.memory_space<hbm>>) target(%arg7 : memref<2x128xi32, #tpu.memory_space<vmem>>) target_semaphore(%run_scoped3A_31 : memref<!tpu.dma_semaphore, #tpu.memory_space<semaphore_mem>>)
        %dma_wait3A_40 = arith.constant 0 : i32
        %dma_wait3A_41 = arith.constant 0 : i32
        %dma_wait3A_42 = tpu.memref_slice %arg2[%add3A_18, %dma_wait3A_40, %dma_wait3A_41] : memref<2528x2x128xi32, #tpu.memory_space<hbm>> -> memref<1x2x128xi32, #tpu.memory_space<hbm>>
        %dma_wait3A_43 = tpu.memref_squeeze %dma_wait3A_42 : memref<1x2x128xi32, #tpu.memory_space<hbm>> -> memref<2x128xi32, #tpu.memory_space<hbm>>
        %dma_wait3A_44 = arith.constant 0 : i32
        %dma_wait3A_45 = arith.constant 0 : i32
        %dma_wait3A_46 = tpu.memref_slice %arg2[%add3A_18, %dma_wait3A_44, %dma_wait3A_45] : memref<2528x2x128xi32, #tpu.memory_space<hbm>> -> memref<1x2x128xi32, #tpu.memory_space<hbm>>
        %dma_wait3A_47 = tpu.memref_squeeze %dma_wait3A_46 : memref<1x2x128xi32, #tpu.memory_space<hbm>> -> memref<2x128xi32, #tpu.memory_space<hbm>>
        tpu.wait_dma2 semaphore(%run_scoped3A_31 : memref<!tpu.dma_semaphore, #tpu.memory_space<semaphore_mem>>) src(%dma_wait3A_47 : memref<2x128xi32, #tpu.memory_space<hbm>>) dst(%arg7 : memref<2x128xi32, #tpu.memory_space<vmem>>)
        tpu.yield
      }) : () -> ()
      %dma_start3A = arith.constant 0 : i32
      %dma_start3A_19 = arith.constant 0 : i32
      %dma_start3A_20 = tpu.memref_slice %arg7[%dma_start3A, %dma_start3A_19] : memref<2x128xi32, #tpu.memory_space<vmem>> -> memref<1x128xi32, #tpu.memory_space<vmem>>
      %dma_start3A_21 = tpu.memref_squeeze %dma_start3A_20 : memref<1x128xi32, #tpu.memory_space<vmem>> -> memref<128xi32, #tpu.memory_space<vmem>>
      %dma_start3A_22 = arith.constant 0 : i32
      %dma_start3A_23 = arith.constant 0 : i32
      %dma_start3A_24 = tpu.memref_slice %arg3[%dma_start3A_22, %dma_start3A_23] : memref<10000x128xf32, #tpu.memory_space<hbm>> -> memref<10000x128xf32, #tpu.memory_space<hbm>>
      tpu.enqueue_indirect_dma source(%dma_start3A_24 : memref<10000x128xf32, #tpu.memory_space<hbm>>) target(%arg8 : memref<128x128xf32, #tpu.memory_space<vmem>>) offsets(%dma_start3A_21 : memref<128xi32, #tpu.memory_space<vmem>>) semaphore(%arg9 : memref<!tpu.dma_semaphore, #tpu.memory_space<semaphore_mem>>)
      %dma_wait3A = arith.constant 0 : i32
      %dma_wait3A_25 = arith.constant 0 : i32
      %dma_wait3A_26 = tpu.memref_slice %arg7[%dma_wait3A, %dma_wait3A_25] : memref<2x128xi32, #tpu.memory_space<vmem>> -> memref<1x128xi32, #tpu.memory_space<vmem>>
      %dma_wait3A_27 = tpu.memref_squeeze %dma_wait3A_26 : memref<1x128xi32, #tpu.memory_space<vmem>> -> memref<128xi32, #tpu.memory_space<vmem>>
      %dma_wait3A_28 = arith.constant 0 : i32
      %dma_wait3A_29 = arith.constant 0 : i32
      %dma_wait3A_30 = tpu.memref_slice %arg3[%dma_wait3A_28, %dma_wait3A_29] : memref<10000x128xf32, #tpu.memory_space<hbm>> -> memref<10000x128xf32, #tpu.memory_space<hbm>>
      tpu.wait_indirect_dma semaphore(%arg9 : memref<!tpu.dma_semaphore, #tpu.memory_space<semaphore_mem>>) src(%dma_wait3A_30 : memref<10000x128xf32, #tpu.memory_space<hbm>>) dst(%arg8 : memref<128x128xf32, #tpu.memory_space<vmem>>)
      %run_scoped3A = arith.constant 1 : i32
      "tpu.region"() ({
        %run_scoped3A_31 = tpu.sem_alloc : memref<!tpu.dma_semaphore, #tpu.memory_space<semaphore_mem>>
        %dma_start3A_32 = arith.constant 0 : i32
        %dma_start3A_33 = tpu.memref_slice %arg7[%run_scoped3A, %dma_start3A_32] : memref<2x128xi32, #tpu.memory_space<vmem>> -> memref<1x128xi32, #tpu.memory_space<vmem>>
        %dma_start3A_34 = tpu.memref_squeeze %dma_start3A_33 : memref<1x128xi32, #tpu.memory_space<vmem>> -> memref<128xi32, #tpu.memory_space<vmem>>
        %dma_start3A_35 = arith.constant 0 : i32
        %dma_start3A_36 = arith.constant 0 : i32
        %dma_start3A_37 = tpu.memref_slice %arg6[%dma_start3A_35, %dma_start3A_36] : memref<10112x128xf32, #tpu.memory_space<vmem_shared>> -> memref<10112x128xf32, #tpu.memory_space<vmem_shared>>
        tpu.enqueue_indirect_dma source(%arg8 : memref<128x128xf32, #tpu.memory_space<vmem>>) target(%dma_start3A_37 : memref<10112x128xf32, #tpu.memory_space<vmem_shared>>) offsets(%dma_start3A_34 : memref<128xi32, #tpu.memory_space<vmem>>) semaphore(%run_scoped3A_31 : memref<!tpu.dma_semaphore, #tpu.memory_space<semaphore_mem>>) {add = true}
        %dma_wait3A_38 = arith.constant 0 : i32
        %dma_wait3A_39 = tpu.memref_slice %arg7[%run_scoped3A, %dma_wait3A_38] : memref<2x128xi32, #tpu.memory_space<vmem>> -> memref<1x128xi32, #tpu.memory_space<vmem>>
        %dma_wait3A_40 = tpu.memref_squeeze %dma_wait3A_39 : memref<1x128xi32, #tpu.memory_space<vmem>> -> memref<128xi32, #tpu.memory_space<vmem>>
        %dma_wait3A_41 = arith.constant 0 : i32
        %dma_wait3A_42 = arith.constant 0 : i32
        %dma_wait3A_43 = tpu.memref_slice %arg6[%dma_wait3A_41, %dma_wait3A_42] : memref<10112x128xf32, #tpu.memory_space<vmem_shared>> -> memref<10112x128xf32, #tpu.memory_space<vmem_shared>>
        tpu.wait_indirect_dma semaphore(%run_scoped3A_31 : memref<!tpu.dma_semaphore, #tpu.memory_space<semaphore_mem>>) src(%arg8 : memref<128x128xf32, #tpu.memory_space<vmem>>) dst(%dma_wait3A_43 : memref<10112x128xf32, #tpu.memory_space<vmem_shared>>)
        tpu.yield
      }) : () -> ()
    }
    %scan3A_9 = arith.constant 79 : i32
    %barrier3A_10 = arith.constant 0 : index
    tpu.barrier barrier_id(%barrier3A_10)
    %mul3A_11 = arith.constant 632 : i32
    %mul3A_12 = arith.muli %arg1, %mul3A_11 : i32
    %mul3A_13 = arith.constant 632 : i32
    %mul3A_14 = arith.muli %arg1, %mul3A_13 : i32
    "tpu.region"() ({
      %run_scoped3A = tpu.sem_alloc : memref<!tpu.dma_semaphore, #tpu.memory_space<semaphore_mem>>
      %dma_start3A = arith.constant 0 : i32
      %dma_start3A_15 = tpu.memref_slice %arg5[%arg0, %mul3A_14, %dma_start3A] : memref<2x10112x128xf32, #tpu.memory_space<hbm>> -> memref<1x632x128xf32, #tpu.memory_space<hbm>>
      %dma_start3A_16 = tpu.memref_squeeze %dma_start3A_15 : memref<1x632x128xf32, #tpu.memory_space<hbm>> -> memref<632x128xf32, #tpu.memory_space<hbm>>
      %dma_start3A_17 = arith.constant 0 : i32
      %dma_start3A_18 = tpu.memref_slice %arg6[%mul3A_12, %dma_start3A_17] : memref<10112x128xf32, #tpu.memory_space<vmem_shared>> -> memref<632x128xf32, #tpu.memory_space<vmem_shared>>
      tpu.enqueue_dma source(%dma_start3A_18 : memref<632x128xf32, #tpu.memory_space<vmem_shared>>) target(%dma_start3A_16 : memref<632x128xf32, #tpu.memory_space<hbm>>) target_semaphore(%run_scoped3A : memref<!tpu.dma_semaphore, #tpu.memory_space<semaphore_mem>>)
      %dma_wait3A = arith.constant 0 : i32
      %dma_wait3A_19 = tpu.memref_slice %arg5[%arg0, %mul3A_14, %dma_wait3A] : memref<2x10112x128xf32, #tpu.memory_space<hbm>> -> memref<1x632x128xf32, #tpu.memory_space<hbm>>
      %dma_wait3A_20 = tpu.memref_squeeze %dma_wait3A_19 : memref<1x632x128xf32, #tpu.memory_space<hbm>> -> memref<632x128xf32, #tpu.memory_space<hbm>>
      %dma_wait3A_21 = arith.constant 0 : i32
      %dma_wait3A_22 = tpu.memref_slice %arg6[%mul3A_12, %dma_wait3A_21] : memref<10112x128xf32, #tpu.memory_space<vmem_shared>> -> memref<632x128xf32, #tpu.memory_space<vmem_shared>>
      tpu.wait_dma2 semaphore(%run_scoped3A : memref<!tpu.dma_semaphore, #tpu.memory_space<semaphore_mem>>) src(%dma_wait3A_22 : memref<632x128xf32, #tpu.memory_space<vmem_shared>>) dst(%dma_wait3A_20 : memref<632x128xf32, #tpu.memory_space<hbm>>)
      tpu.yield
    }) : () -> ()
    return
  }
}

#map = affine_map<(d0, d1) -> (0, 0, 0)>
#map1 = affine_map<(d0, d1) -> (0, 0)>
module attributes {stable_mosaic.version = 14 : i64} {
  func.func @_sc_layer_body(%arg0: i32, %arg1: i32, %arg2: memref<2528x2x128xi32, #tpu.memory_space<hbm>>, %arg3: memref<10000x128xf32, #tpu.memory_space<hbm>>, %arg4: memref<10112x128xf32, #tpu.memory_space<hbm>>, %arg5: memref<2x10112x128xf32, #tpu.memory_space<hbm>>, %arg6: memref<10112x128xf32, #tpu.memory_space<vmem_shared>>, %arg7: memref<2x128xi32, #tpu.memory_space<vmem>>, %arg8: memref<128x128xf32, #tpu.memory_space<vmem>>, %arg9: memref<!tpu.dma_semaphore, #tpu.memory_space<semaphore_mem>>) attributes {dimension_semantics = [#tpu.dimension_semantics<core_parallel>, #tpu.dimension_semantics<subcore_parallel>], iteration_bounds = array<i64: 2, 16>, scalar_prefetch = 0 : i64, scratch_operands = 4 : i64, tpu.core_type = #tpu.core_type<sc_vector_subcore>, window_params = [{transform_indices = #map}, {transform_indices = #map1}, {transform_indices = #map1}, {transform_indices = #map}]} {
    %mul3A = arith.constant 2 : i32
    %mul3A_0 = arith.muli %arg1, %mul3A : i32
    %add3A = arith.addi %mul3A_0, %arg0 : i32
    %mul3A_1 = arith.constant 632 : i32
    %mul3A_2 = arith.muli %arg1, %mul3A_1 : i32
    %mul3A_3 = arith.constant 632 : i32
    %mul3A_4 = arith.muli %arg1, %mul3A_3 : i32
    "tpu.region"() ({
      %run_scoped3A = tpu.sem_alloc : memref<!tpu.dma_semaphore, #tpu.memory_space<semaphore_mem>>
      %dma_start3A = arith.constant 0 : i32
      %dma_start3A_15 = tpu.memref_slice %arg6[%mul3A_4, %dma_start3A] : memref<10112x128xf32, #tpu.memory_space<vmem_shared>> -> memref<632x128xf32, #tpu.memory_space<vmem_shared>>
      %dma_start3A_16 = arith.constant 0 : i32
      %dma_start3A_17 = tpu.memref_slice %arg4[%mul3A_2, %dma_start3A_16] : memref<10112x128xf32, #tpu.memory_space<hbm>> -> memref<632x128xf32, #tpu.memory_space<hbm>>
      tpu.enqueue_dma source(%dma_start3A_17 : memref<632x128xf32, #tpu.memory_space<hbm>>) target(%dma_start3A_15 : memref<632x128xf32, #tpu.memory_space<vmem_shared>>) target_semaphore(%run_scoped3A : memref<!tpu.dma_semaphore, #tpu.memory_space<semaphore_mem>>)
      %dma_wait3A = arith.constant 0 : i32
      %dma_wait3A_18 = tpu.memref_slice %arg6[%mul3A_4, %dma_wait3A] : memref<10112x128xf32, #tpu.memory_space<vmem_shared>> -> memref<632x128xf32, #tpu.memory_space<vmem_shared>>
      %dma_wait3A_19 = arith.constant 0 : i32
      %dma_wait3A_20 = tpu.memref_slice %arg4[%mul3A_2, %dma_wait3A_19] : memref<10112x128xf32, #tpu.memory_space<hbm>> -> memref<632x128xf32, #tpu.memory_space<hbm>>
      tpu.wait_dma2 semaphore(%run_scoped3A : memref<!tpu.dma_semaphore, #tpu.memory_space<semaphore_mem>>) src(%dma_wait3A_20 : memref<632x128xf32, #tpu.memory_space<hbm>>) dst(%dma_wait3A_18 : memref<632x128xf32, #tpu.memory_space<vmem_shared>>)
      tpu.yield
    }) : () -> ()
    %barrier3A = arith.constant 0 : index
    tpu.barrier barrier_id(%barrier3A)
    %scan3A = arith.constant 0 : i32
    %scan3A_5 = arith.constant 0 : i32
    %scan3A_6 = arith.constant 79 : i32
    %scan3A_7 = arith.addi %scan3A_5, %scan3A_6 : i32
    %scan3A_8 = arith.constant 1 : i32
    scf.for %scan3A_15 = %scan3A_5 to %scan3A_7 step %scan3A_8  : i32 {
      %mul3A_16 = arith.constant 32 : i32
      %mul3A_17 = arith.muli %scan3A_15, %mul3A_16 : i32
      %add3A_18 = arith.addi %add3A, %mul3A_17 : i32
      "tpu.region"() ({
        %run_scoped3A_31 = tpu.sem_alloc : memref<!tpu.dma_semaphore, #tpu.memory_space<semaphore_mem>>
        %dma_start3A_32 = arith.constant 0 : i32
        %dma_start3A_33 = arith.constant 0 : i32
        %dma_start3A_34 = tpu.memref_slice %arg2[%add3A_18, %dma_start3A_32, %dma_start3A_33] : memref<2528x2x128xi32, #tpu.memory_space<hbm>> -> memref<1x2x128xi32, #tpu.memory_space<hbm>>
        %dma_start3A_35 = tpu.memref_squeeze %dma_start3A_34 : memref<1x2x128xi32, #tpu.memory_space<hbm>> -> memref<2x128xi32, #tpu.memory_space<hbm>>
        %dma_start3A_36 = arith.constant 0 : i32
        %dma_start3A_37 = arith.constant 0 : i32
        %dma_start3A_38 = tpu.memref_slice %arg2[%add3A_18, %dma_start3A_36, %dma_start3A_37] : memref<2528x2x128xi32, #tpu.memory_space<hbm>> -> memref<1x2x128xi32, #tpu.memory_space<hbm>>
        %dma_start3A_39 = tpu.memref_squeeze %dma_start3A_38 : memref<1x2x128xi32, #tpu.memory_space<hbm>> -> memref<2x128xi32, #tpu.memory_space<hbm>>
        tpu.enqueue_dma source(%dma_start3A_39 : memref<2x128xi32, #tpu.memory_space<hbm>>) target(%arg7 : memref<2x128xi32, #tpu.memory_space<vmem>>) target_semaphore(%run_scoped3A_31 : memref<!tpu.dma_semaphore, #tpu.memory_space<semaphore_mem>>)
        %dma_wait3A_40 = arith.constant 0 : i32
        %dma_wait3A_41 = arith.constant 0 : i32
        %dma_wait3A_42 = tpu.memref_slice %arg2[%add3A_18, %dma_wait3A_40, %dma_wait3A_41] : memref<2528x2x128xi32, #tpu.memory_space<hbm>> -> memref<1x2x128xi32, #tpu.memory_space<hbm>>
        %dma_wait3A_43 = tpu.memref_squeeze %dma_wait3A_42 : memref<1x2x128xi32, #tpu.memory_space<hbm>> -> memref<2x128xi32, #tpu.memory_space<hbm>>
        %dma_wait3A_44 = arith.constant 0 : i32
        %dma_wait3A_45 = arith.constant 0 : i32
        %dma_wait3A_46 = tpu.memref_slice %arg2[%add3A_18, %dma_wait3A_44, %dma_wait3A_45] : memref<2528x2x128xi32, #tpu.memory_space<hbm>> -> memref<1x2x128xi32, #tpu.memory_space<hbm>>
        %dma_wait3A_47 = tpu.memref_squeeze %dma_wait3A_46 : memref<1x2x128xi32, #tpu.memory_space<hbm>> -> memref<2x128xi32, #tpu.memory_space<hbm>>
        tpu.wait_dma2 semaphore(%run_scoped3A_31 : memref<!tpu.dma_semaphore, #tpu.memory_space<semaphore_mem>>) src(%dma_wait3A_47 : memref<2x128xi32, #tpu.memory_space<hbm>>) dst(%arg7 : memref<2x128xi32, #tpu.memory_space<vmem>>)
        tpu.yield
      }) : () -> ()
      %dma_start3A = arith.constant 0 : i32
      %dma_start3A_19 = arith.constant 0 : i32
      %dma_start3A_20 = tpu.memref_slice %arg7[%dma_start3A, %dma_start3A_19] : memref<2x128xi32, #tpu.memory_space<vmem>> -> memref<1x128xi32, #tpu.memory_space<vmem>>
      %dma_start3A_21 = tpu.memref_squeeze %dma_start3A_20 : memref<1x128xi32, #tpu.memory_space<vmem>> -> memref<128xi32, #tpu.memory_space<vmem>>
      %dma_start3A_22 = arith.constant 0 : i32
      %dma_start3A_23 = arith.constant 0 : i32
      %dma_start3A_24 = tpu.memref_slice %arg3[%dma_start3A_22, %dma_start3A_23] : memref<10000x128xf32, #tpu.memory_space<hbm>> -> memref<10000x128xf32, #tpu.memory_space<hbm>>
      tpu.enqueue_indirect_dma source(%dma_start3A_24 : memref<10000x128xf32, #tpu.memory_space<hbm>>) target(%arg8 : memref<128x128xf32, #tpu.memory_space<vmem>>) offsets(%dma_start3A_21 : memref<128xi32, #tpu.memory_space<vmem>>) semaphore(%arg9 : memref<!tpu.dma_semaphore, #tpu.memory_space<semaphore_mem>>)
      %dma_wait3A = arith.constant 0 : i32
      %dma_wait3A_25 = arith.constant 0 : i32
      %dma_wait3A_26 = tpu.memref_slice %arg7[%dma_wait3A, %dma_wait3A_25] : memref<2x128xi32, #tpu.memory_space<vmem>> -> memref<1x128xi32, #tpu.memory_space<vmem>>
      %dma_wait3A_27 = tpu.memref_squeeze %dma_wait3A_26 : memref<1x128xi32, #tpu.memory_space<vmem>> -> memref<128xi32, #tpu.memory_space<vmem>>
      %dma_wait3A_28 = arith.constant 0 : i32
      %dma_wait3A_29 = arith.constant 0 : i32
      %dma_wait3A_30 = tpu.memref_slice %arg3[%dma_wait3A_28, %dma_wait3A_29] : memref<10000x128xf32, #tpu.memory_space<hbm>> -> memref<10000x128xf32, #tpu.memory_space<hbm>>
      tpu.wait_indirect_dma semaphore(%arg9 : memref<!tpu.dma_semaphore, #tpu.memory_space<semaphore_mem>>) src(%dma_wait3A_30 : memref<10000x128xf32, #tpu.memory_space<hbm>>) dst(%arg8 : memref<128x128xf32, #tpu.memory_space<vmem>>)
      %run_scoped3A = arith.constant 1 : i32
      "tpu.region"() ({
        %run_scoped3A_31 = tpu.sem_alloc : memref<!tpu.dma_semaphore, #tpu.memory_space<semaphore_mem>>
        %dma_start3A_32 = arith.constant 0 : i32
        %dma_start3A_33 = tpu.memref_slice %arg7[%run_scoped3A, %dma_start3A_32] : memref<2x128xi32, #tpu.memory_space<vmem>> -> memref<1x128xi32, #tpu.memory_space<vmem>>
        %dma_start3A_34 = tpu.memref_squeeze %dma_start3A_33 : memref<1x128xi32, #tpu.memory_space<vmem>> -> memref<128xi32, #tpu.memory_space<vmem>>
        %dma_start3A_35 = arith.constant 0 : i32
        %dma_start3A_36 = arith.constant 0 : i32
        %dma_start3A_37 = tpu.memref_slice %arg6[%dma_start3A_35, %dma_start3A_36] : memref<10112x128xf32, #tpu.memory_space<vmem_shared>> -> memref<10112x128xf32, #tpu.memory_space<vmem_shared>>
        tpu.enqueue_indirect_dma source(%arg8 : memref<128x128xf32, #tpu.memory_space<vmem>>) target(%dma_start3A_37 : memref<10112x128xf32, #tpu.memory_space<vmem_shared>>) offsets(%dma_start3A_34 : memref<128xi32, #tpu.memory_space<vmem>>) semaphore(%run_scoped3A_31 : memref<!tpu.dma_semaphore, #tpu.memory_space<semaphore_mem>>) {add = true}
        %dma_wait3A_38 = arith.constant 0 : i32
        %dma_wait3A_39 = tpu.memref_slice %arg7[%run_scoped3A, %dma_wait3A_38] : memref<2x128xi32, #tpu.memory_space<vmem>> -> memref<1x128xi32, #tpu.memory_space<vmem>>
        %dma_wait3A_40 = tpu.memref_squeeze %dma_wait3A_39 : memref<1x128xi32, #tpu.memory_space<vmem>> -> memref<128xi32, #tpu.memory_space<vmem>>
        %dma_wait3A_41 = arith.constant 0 : i32
        %dma_wait3A_42 = arith.constant 0 : i32
        %dma_wait3A_43 = tpu.memref_slice %arg6[%dma_wait3A_41, %dma_wait3A_42] : memref<10112x128xf32, #tpu.memory_space<vmem_shared>> -> memref<10112x128xf32, #tpu.memory_space<vmem_shared>>
        tpu.wait_indirect_dma semaphore(%run_scoped3A_31 : memref<!tpu.dma_semaphore, #tpu.memory_space<semaphore_mem>>) src(%arg8 : memref<128x128xf32, #tpu.memory_space<vmem>>) dst(%dma_wait3A_43 : memref<10112x128xf32, #tpu.memory_space<vmem_shared>>)
        tpu.yield
      }) : () -> ()
    }
    %scan3A_9 = arith.constant 79 : i32
    %barrier3A_10 = arith.constant 0 : index
    tpu.barrier barrier_id(%barrier3A_10)
    %mul3A_11 = arith.constant 632 : i32
    %mul3A_12 = arith.muli %arg1, %mul3A_11 : i32
    %mul3A_13 = arith.constant 632 : i32
    %mul3A_14 = arith.muli %arg1, %mul3A_13 : i32
    "tpu.region"() ({
      %run_scoped3A = tpu.sem_alloc : memref<!tpu.dma_semaphore, #tpu.memory_space<semaphore_mem>>
      %dma_start3A = arith.constant 0 : i32
      %dma_start3A_15 = tpu.memref_slice %arg5[%arg0, %mul3A_14, %dma_start3A] : memref<2x10112x128xf32, #tpu.memory_space<hbm>> -> memref<1x632x128xf32, #tpu.memory_space<hbm>>
      %dma_start3A_16 = tpu.memref_squeeze %dma_start3A_15 : memref<1x632x128xf32, #tpu.memory_space<hbm>> -> memref<632x128xf32, #tpu.memory_space<hbm>>
      %dma_start3A_17 = arith.constant 0 : i32
      %dma_start3A_18 = tpu.memref_slice %arg6[%mul3A_12, %dma_start3A_17] : memref<10112x128xf32, #tpu.memory_space<vmem_shared>> -> memref<632x128xf32, #tpu.memory_space<vmem_shared>>
      tpu.enqueue_dma source(%dma_start3A_18 : memref<632x128xf32, #tpu.memory_space<vmem_shared>>) target(%dma_start3A_16 : memref<632x128xf32, #tpu.memory_space<hbm>>) target_semaphore(%run_scoped3A : memref<!tpu.dma_semaphore, #tpu.memory_space<semaphore_mem>>)
      %dma_wait3A = arith.constant 0 : i32
      %dma_wait3A_19 = tpu.memref_slice %arg5[%arg0, %mul3A_14, %dma_wait3A] : memref<2x10112x128xf32, #tpu.memory_space<hbm>> -> memref<1x632x128xf32, #tpu.memory_space<hbm>>
      %dma_wait3A_20 = tpu.memref_squeeze %dma_wait3A_19 : memref<1x632x128xf32, #tpu.memory_space<hbm>> -> memref<632x128xf32, #tpu.memory_space<hbm>>
      %dma_wait3A_21 = arith.constant 0 : i32
      %dma_wait3A_22 = tpu.memref_slice %arg6[%mul3A_12, %dma_wait3A_21] : memref<10112x128xf32, #tpu.memory_space<vmem_shared>> -> memref<632x128xf32, #tpu.memory_space<vmem_shared>>
      tpu.wait_dma2 semaphore(%run_scoped3A : memref<!tpu.dma_semaphore, #tpu.memory_space<semaphore_mem>>) src(%dma_wait3A_22 : memref<632x128xf32, #tpu.memory_space<vmem_shared>>) dst(%dma_wait3A_20 : memref<632x128xf32, #tpu.memory_space<hbm>>)
      tpu.yield
    }) : () -> ()
    return
  }
}

module attributes {stable_mosaic.version = 14 : i64} {
  func.func @_proj_body(%arg0: i32, %arg1: memref<1000x128xf32, #tpu.memory_space<vmem>>, %arg2: memref<128x128xf32, #tpu.memory_space<vmem>>, %arg3: memref<1x128xf32, #tpu.memory_space<vmem>>, %arg4: memref<1000x128xf32, #tpu.memory_space<vmem>>) attributes {dimension_semantics = [#tpu.dimension_semantics<arbitrary>], iteration_bounds = array<i64: 10>, scalar_prefetch = 0 : i64, scratch_operands = 0 : i64, tpu.core_type = #tpu.core_type<tc>, window_params = [{transform_indices = @transform_0, window_bounds = array<i64: 1000, 128>}, {pipeline_mode = #tpu.pipeline_mode<synchronous>, transform_indices = @transform_1, window_bounds = array<i64: 128, 128>}, {pipeline_mode = #tpu.pipeline_mode<synchronous>, transform_indices = @transform_2, window_bounds = array<i64: 1, 128>}, {transform_indices = @transform_3, window_bounds = array<i64: 1000, 128>}]} {
    %get3A = arith.constant 0 : index
    %get3A_0 = arith.constant 0 : index
    %get3A_1 = vector.load %arg1[%get3A, %get3A_0] : memref<1000x128xf32, #tpu.memory_space<vmem>>, vector<1000x128xf32>
    %get3A_2 = arith.constant 0 : index
    %get3A_3 = arith.constant 0 : index
    %get3A_4 = vector.load %arg2[%get3A_2, %get3A_3] : memref<128x128xf32, #tpu.memory_space<vmem>>, vector<128x128xf32>
    %dot_general3A = arith.constant dense<0.000000e+00> : vector<1000x128xf32>
    %dot_general3A_5 = tpu.matmul %get3A_1, %get3A_4, %dot_general3A {dimension_numbers = #tpu.dot_dimension_numbers<[1], [0], [0], [1], [0, 0, 1, 1], [], []>, transpose_lhs_hint = false} : vector<1000x128xf32>, vector<128x128xf32>, vector<1000x128xf32> -> vector<1000x128xf32>
    %get3A_6 = arith.constant 0 : index
    %get3A_7 = arith.constant 0 : index
    %get3A_8 = vector.load %arg3[%get3A_6, %get3A_7] : memref<1x128xf32, #tpu.memory_space<vmem>>, vector<1x128xf32>
    %add3A = vector.broadcast %get3A_8 : vector<1x128xf32> to vector<1000x128xf32>
    %add3A_9 = arith.addf %dot_general3A_5, %add3A : vector<1000x128xf32>
    %swap3A = arith.constant 0 : index
    %swap3A_10 = arith.constant 0 : index
    %swap3A_11 = vector.load %arg4[%swap3A, %swap3A_10] : memref<1000x128xf32, #tpu.memory_space<vmem>>, vector<1000x128xf32>
    tpu.vector_store %arg4[%swap3A, %swap3A_10], %add3A_9 {strides = array<i32>} : memref<1000x128xf32, #tpu.memory_space<vmem>>, vector<1000x128xf32>,
    return
  }
  func.func @transform_0(%arg0: i32) -> (i32, i32) {
    %c0_i32 = arith.constant 0 : i32
    %c0_i32_0 = arith.constant 0 : i32
    return %arg0, %c0_i32 : i32, i32
  }
  func.func @transform_1(%arg0: i32) -> (i32, i32) {
    %c0_i32 = arith.constant 0 : i32
    %c0_i32_0 = arith.constant 0 : i32
    %c0_i32_1 = arith.constant 0 : i32
    return %c0_i32, %c0_i32_0 : i32, i32
  }
  func.func @transform_2(%arg0: i32) -> (i32, i32) {
    %c0_i32 = arith.constant 0 : i32
    %c0_i32_0 = arith.constant 0 : i32
    %c0_i32_1 = arith.constant 0 : i32
    return %c0_i32, %c0_i32_0 : i32, i32
  }
  func.func @transform_3(%arg0: i32) -> (i32, i32) {
    %c0_i32 = arith.constant 0 : i32
    %c0_i32_0 = arith.constant 0 : i32
    return %arg0, %c0_i32 : i32, i32
  }
}

module attributes {stable_mosaic.version = 14 : i64} {
  func.func @_upd1_body(%arg0: i32, %arg1: memref<2x1000x128xf32, #tpu.memory_space<vmem>>, %arg2: memref<2x1000x32xf32, #tpu.memory_space<vmem>>, %arg3: memref<1000x128xf32, #tpu.memory_space<vmem>>, %arg4: memref<16x128xf32, #tpu.memory_space<vmem>>, %arg5: memref<1x128xf32, #tpu.memory_space<vmem>>, %arg6: memref<1000x128xf32, #tpu.memory_space<vmem>>, %arg7: memref<1000x128xf32, #tpu.memory_space<vmem>>, %arg8: memref<1000x128xf32, #tpu.memory_space<vmem>>) attributes {dimension_semantics = [#tpu.dimension_semantics<arbitrary>], iteration_bounds = array<i64: 10>, scalar_prefetch = 0 : i64, scratch_operands = 0 : i64, tpu.core_type = #tpu.core_type<tc>, window_params = [{transform_indices = @transform_0, window_bounds = array<i64: 2, 1000, 128>}, {transform_indices = @transform_1, window_bounds = array<i64: 2, 1000, 32>}, {transform_indices = @transform_2, window_bounds = array<i64: 1000, 128>}, {pipeline_mode = #tpu.pipeline_mode<synchronous>, transform_indices = @transform_3, window_bounds = array<i64: 16, 128>}, {pipeline_mode = #tpu.pipeline_mode<synchronous>, transform_indices = @transform_4, window_bounds = array<i64: 1, 128>}, {transform_indices = @transform_5, window_bounds = array<i64: 1000, 128>}, {transform_indices = @transform_6, window_bounds = array<i64: 1000, 128>}, {transform_indices = @transform_7, window_bounds = array<i64: 1000, 128>}]} {
    %get3A = arith.constant 0 : index
    %get3A_0 = arith.constant 0 : index
    %get3A_1 = arith.constant 0 : index
    %get3A_2 = vector.load %arg2[%get3A, %get3A_0, %get3A_1] : memref<2x1000x32xf32, #tpu.memory_space<vmem>>, vector<1x1000x16xf32>
    %get3A_3 = vector.shape_cast %get3A_2 : vector<1x1000x16xf32> to vector<1000x16xf32>
    %get3A_4 = arith.constant 1 : index
    %get3A_5 = arith.constant 0 : index
    %get3A_6 = arith.constant 0 : index
    %get3A_7 = vector.load %arg2[%get3A_4, %get3A_5, %get3A_6] : memref<2x1000x32xf32, #tpu.memory_space<vmem>>, vector<1x1000x16xf32>
    %get3A_8 = vector.shape_cast %get3A_7 : vector<1x1000x16xf32> to vector<1000x16xf32>
    %add3A = arith.addf %get3A_3, %get3A_8 : vector<1000x16xf32>
    %get3A_9 = arith.constant 0 : index
    %get3A_10 = arith.constant 0 : index
    %get3A_11 = arith.constant 16 : index
    %get3A_12 = vector.load %arg2[%get3A_9, %get3A_10, %get3A_11] : memref<2x1000x32xf32, #tpu.memory_space<vmem>>, vector<1x1000x1xf32>
    %get3A_13 = vector.shape_cast %get3A_12 : vector<1x1000x1xf32> to vector<1000x1xf32>
    %get3A_14 = arith.constant 1 : index
    %get3A_15 = arith.constant 0 : index
    %get3A_16 = arith.constant 16 : index
    %get3A_17 = vector.load %arg2[%get3A_14, %get3A_15, %get3A_16] : memref<2x1000x32xf32, #tpu.memory_space<vmem>>, vector<1x1000x1xf32>
    %get3A_18 = vector.shape_cast %get3A_17 : vector<1x1000x1xf32> to vector<1000x1xf32>
    %add3A_19 = arith.addf %get3A_13, %get3A_18 : vector<1000x1xf32>
    %get3A_20 = arith.constant 0 : index
    %get3A_21 = arith.constant 0 : index
    %get3A_22 = vector.load %arg4[%get3A_20, %get3A_21] : memref<16x128xf32, #tpu.memory_space<vmem>>, vector<16x128xf32>
    %dot_general3A = arith.constant dense<0.000000e+00> : vector<1000x128xf32>
    %dot_general3A_23 = tpu.matmul %add3A, %get3A_22, %dot_general3A {dimension_numbers = #tpu.dot_dimension_numbers<[1], [0], [0], [1], [0, 0, 1, 1], [], []>, transpose_lhs_hint = false} : vector<1000x16xf32>, vector<16x128xf32>, vector<1000x128xf32> -> vector<1000x128xf32>
    %get3A_24 = arith.constant 0 : index
    %get3A_25 = arith.constant 0 : index
    %get3A_26 = vector.load %arg5[%get3A_24, %get3A_25] : memref<1x128xf32, #tpu.memory_space<vmem>>, vector<1x128xf32>
    %mul3A = vector.broadcast %add3A_19 : vector<1000x1xf32> to vector<1000x128xf32>
    %mul3A_27 = vector.broadcast %get3A_26 : vector<1x128xf32> to vector<1000x128xf32>
    %mul3A_28 = arith.mulf %mul3A, %mul3A_27 : vector<1000x128xf32>
    %add3A_29 = arith.addf %dot_general3A_23, %mul3A_28 : vector<1000x128xf32>
    %get3A_30 = arith.constant 0 : index
    %get3A_31 = arith.constant 0 : index
    %get3A_32 = arith.constant 0 : index
    %get3A_33 = vector.load %arg1[%get3A_30, %get3A_31, %get3A_32] : memref<2x1000x128xf32, #tpu.memory_space<vmem>>, vector<1x1000x128xf32>
    %get3A_34 = vector.shape_cast %get3A_33 : vector<1x1000x128xf32> to vector<1000x128xf32>
    %get3A_35 = arith.constant 1 : index
    %get3A_36 = arith.constant 0 : index
    %get3A_37 = arith.constant 0 : index
    %get3A_38 = vector.load %arg1[%get3A_35, %get3A_36, %get3A_37] : memref<2x1000x128xf32, #tpu.memory_space<vmem>>, vector<1x1000x128xf32>
    %get3A_39 = vector.shape_cast %get3A_38 : vector<1x1000x128xf32> to vector<1000x128xf32>
    %add3A_40 = arith.addf %get3A_34, %get3A_39 : vector<1000x128xf32>
    %add3A_41 = arith.addf %add3A_40, %add3A_29 : vector<1000x128xf32>
    %mul3A_42 = arith.mulf %add3A_41, %add3A_41 : vector<1000x128xf32>
    %reduce_sum3A = arith.constant dense<0.000000e+00> : vector<1000xf32>
    %reduce_sum3A_43 = vector.multi_reduction <add>, %mul3A_42, %reduce_sum3A [1] : vector<1000x128xf32> to vector<1000xf32>
    %broadcast_in_dim3A = vector.shape_cast %reduce_sum3A_43 : vector<1000xf32> to vector<1000x1xf32>
    %sqrt3A = math.sqrt %broadcast_in_dim3A : vector<1000x1xf32>
    %max3A = arith.constant 9.99999996E-13 : f32
    %max3A_44 = vector.broadcast %max3A : f32 to vector<1000x1xf32>
    %max3A_45 = arith.maximumf %sqrt3A, %max3A_44 : vector<1000x1xf32>
    %div3A = vector.broadcast %max3A_45 : vector<1000x1xf32> to vector<1000x128xf32>
    %div3A_46 = arith.divf %add3A_41, %div3A : vector<1000x128xf32>
    %ge3A = arith.constant 0.000000e+00 : f32
    %ge3A_47 = vector.broadcast %ge3A : f32 to vector<1000x128xf32>
    %ge3A_48 = arith.cmpf oge, %div3A_46, %ge3A_47 : vector<1000x128xf32>
    %mul3A_49 = arith.constant 2.000000e-01 : f32
    %mul3A_50 = vector.broadcast %mul3A_49 : f32 to vector<1000x128xf32>
    %mul3A_51 = arith.mulf %mul3A_50, %div3A_46 : vector<1000x128xf32>
    %select_n3A = arith.select %ge3A_48, %div3A_46, %mul3A_51 : vector<1000x128xi1>, vector<1000x128xf32>
    %swap3A = arith.constant 0 : index
    %swap3A_52 = arith.constant 0 : index
    %swap3A_53 = vector.load %arg6[%swap3A, %swap3A_52] : memref<1000x128xf32, #tpu.memory_space<vmem>>, vector<1000x128xf32>
    tpu.vector_store %arg6[%swap3A, %swap3A_52], %add3A_29 {strides = array<i32>} : memref<1000x128xf32, #tpu.memory_space<vmem>>, vector<1000x128xf32>,
    %swap3A_54 = arith.constant 0 : index
    %swap3A_55 = arith.constant 0 : index
    %swap3A_56 = vector.load %arg7[%swap3A_54, %swap3A_55] : memref<1000x128xf32, #tpu.memory_space<vmem>>, vector<1000x128xf32>
    tpu.vector_store %arg7[%swap3A_54, %swap3A_55], %select_n3A {strides = array<i32>} : memref<1000x128xf32, #tpu.memory_space<vmem>>, vector<1000x128xf32>,
    %get3A_57 = arith.constant 0 : index
    %get3A_58 = arith.constant 0 : index
    %get3A_59 = vector.load %arg3[%get3A_57, %get3A_58] : memref<1000x128xf32, #tpu.memory_space<vmem>>, vector<1000x128xf32>
    %add3A_60 = arith.addf %get3A_59, %select_n3A : vector<1000x128xf32>
    %swap3A_61 = arith.constant 0 : index
    %swap3A_62 = arith.constant 0 : index
    %swap3A_63 = vector.load %arg8[%swap3A_61, %swap3A_62] : memref<1000x128xf32, #tpu.memory_space<vmem>>, vector<1000x128xf32>
    tpu.vector_store %arg8[%swap3A_61, %swap3A_62], %add3A_60 {strides = array<i32>} : memref<1000x128xf32, #tpu.memory_space<vmem>>, vector<1000x128xf32>,
    return
  }
  func.func @transform_0(%arg0: i32) -> (i32, i32, i32) {
    %c0_i32 = arith.constant 0 : i32
    %c0_i32_0 = arith.constant 0 : i32
    %c0_i32_1 = arith.constant 0 : i32
    return %c0_i32, %arg0, %c0_i32_0 : i32, i32, i32
  }
  func.func @transform_1(%arg0: i32) -> (i32, i32, i32) {
    %c0_i32 = arith.constant 0 : i32
    %c0_i32_0 = arith.constant 0 : i32
    %c0_i32_1 = arith.constant 0 : i32
    return %c0_i32, %arg0, %c0_i32_0 : i32, i32, i32
  }
  func.func @transform_2(%arg0: i32) -> (i32, i32) {
    %c0_i32 = arith.constant 0 : i32
    %c0_i32_0 = arith.constant 0 : i32
    return %arg0, %c0_i32 : i32, i32
  }
  func.func @transform_3(%arg0: i32) -> (i32, i32) {
    %c0_i32 = arith.constant 0 : i32
    %c0_i32_0 = arith.constant 0 : i32
    %c0_i32_1 = arith.constant 0 : i32
    return %c0_i32, %c0_i32_0 : i32, i32
  }
  func.func @transform_4(%arg0: i32) -> (i32, i32) {
    %c0_i32 = arith.constant 0 : i32
    %c0_i32_0 = arith.constant 0 : i32
    %c0_i32_1 = arith.constant 0 : i32
    return %c0_i32, %c0_i32_0 : i32, i32
  }
  func.func @transform_5(%arg0: i32) -> (i32, i32) {
    %c0_i32 = arith.constant 0 : i32
    %c0_i32_0 = arith.constant 0 : i32
    return %arg0, %c0_i32 : i32, i32
  }
  func.func @transform_6(%arg0: i32) -> (i32, i32) {
    %c0_i32 = arith.constant 0 : i32
    %c0_i32_0 = arith.constant 0 : i32
    return %arg0, %c0_i32 : i32, i32
  }
  func.func @transform_7(%arg0: i32) -> (i32, i32) {
    %c0_i32 = arith.constant 0 : i32
    %c0_i32_0 = arith.constant 0 : i32
    return %arg0, %c0_i32 : i32, i32
  }
}

module attributes {stable_mosaic.version = 14 : i64} {
  func.func @_updk_body(%arg0: i32, %arg1: memref<2x1000x128xf32, #tpu.memory_space<vmem>>, %arg2: memref<1000x128xf32, #tpu.memory_space<vmem>>, %arg3: memref<1000x128xf32, #tpu.memory_space<vmem>>, %arg4: memref<1000x128xf32, #tpu.memory_space<vmem>>, %arg5: memref<1000x128xf32, #tpu.memory_space<vmem>>) attributes {dimension_semantics = [#tpu.dimension_semantics<arbitrary>], iteration_bounds = array<i64: 10>, scalar_prefetch = 0 : i64, scratch_operands = 0 : i64, tpu.core_type = #tpu.core_type<tc>, window_params = [{transform_indices = @transform_0, window_bounds = array<i64: 2, 1000, 128>}, {transform_indices = @transform_1, window_bounds = array<i64: 1000, 128>}, {transform_indices = @transform_2, window_bounds = array<i64: 1000, 128>}, {transform_indices = @transform_3, window_bounds = array<i64: 1000, 128>}, {transform_indices = @transform_4, window_bounds = array<i64: 1000, 128>}]} {
    %get3A = arith.constant 0 : index
    %get3A_0 = arith.constant 0 : index
    %get3A_1 = arith.constant 0 : index
    %get3A_2 = vector.load %arg1[%get3A, %get3A_0, %get3A_1] : memref<2x1000x128xf32, #tpu.memory_space<vmem>>, vector<1x1000x128xf32>
    %get3A_3 = vector.shape_cast %get3A_2 : vector<1x1000x128xf32> to vector<1000x128xf32>
    %get3A_4 = arith.constant 1 : index
    %get3A_5 = arith.constant 0 : index
    %get3A_6 = arith.constant 0 : index
    %get3A_7 = vector.load %arg1[%get3A_4, %get3A_5, %get3A_6] : memref<2x1000x128xf32, #tpu.memory_space<vmem>>, vector<1x1000x128xf32>
    %get3A_8 = vector.shape_cast %get3A_7 : vector<1x1000x128xf32> to vector<1000x128xf32>
    %add3A = arith.addf %get3A_3, %get3A_8 : vector<1000x128xf32>
    %get3A_9 = arith.constant 0 : index
    %get3A_10 = arith.constant 0 : index
    %get3A_11 = vector.load %arg2[%get3A_9, %get3A_10] : memref<1000x128xf32, #tpu.memory_space<vmem>>, vector<1000x128xf32>
    %add3A_12 = arith.addf %add3A, %get3A_11 : vector<1000x128xf32>
    %mul3A = arith.mulf %add3A_12, %add3A_12 : vector<1000x128xf32>
    %reduce_sum3A = arith.constant dense<0.000000e+00> : vector<1000xf32>
    %reduce_sum3A_13 = vector.multi_reduction <add>, %mul3A, %reduce_sum3A [1] : vector<1000x128xf32> to vector<1000xf32>
    %broadcast_in_dim3A = vector.shape_cast %reduce_sum3A_13 : vector<1000xf32> to vector<1000x1xf32>
    %sqrt3A = math.sqrt %broadcast_in_dim3A : vector<1000x1xf32>
    %max3A = arith.constant 9.99999996E-13 : f32
    %max3A_14 = vector.broadcast %max3A : f32 to vector<1000x1xf32>
    %max3A_15 = arith.maximumf %sqrt3A, %max3A_14 : vector<1000x1xf32>
    %div3A = vector.broadcast %max3A_15 : vector<1000x1xf32> to vector<1000x128xf32>
    %div3A_16 = arith.divf %add3A_12, %div3A : vector<1000x128xf32>
    %ge3A = arith.constant 0.000000e+00 : f32
    %ge3A_17 = vector.broadcast %ge3A : f32 to vector<1000x128xf32>
    %ge3A_18 = arith.cmpf oge, %div3A_16, %ge3A_17 : vector<1000x128xf32>
    %mul3A_19 = arith.constant 2.000000e-01 : f32
    %mul3A_20 = vector.broadcast %mul3A_19 : f32 to vector<1000x128xf32>
    %mul3A_21 = arith.mulf %mul3A_20, %div3A_16 : vector<1000x128xf32>
    %select_n3A = arith.select %ge3A_18, %div3A_16, %mul3A_21 : vector<1000x128xi1>, vector<1000x128xf32>
    %swap3A = arith.constant 0 : index
    %swap3A_22 = arith.constant 0 : index
    %swap3A_23 = vector.load %arg4[%swap3A, %swap3A_22] : memref<1000x128xf32, #tpu.memory_space<vmem>>, vector<1000x128xf32>
    tpu.vector_store %arg4[%swap3A, %swap3A_22], %select_n3A {strides = array<i32>} : memref<1000x128xf32, #tpu.memory_space<vmem>>, vector<1000x128xf32>,
    %get3A_24 = arith.constant 0 : index
    %get3A_25 = arith.constant 0 : index
    %get3A_26 = vector.load %arg3[%get3A_24, %get3A_25] : memref<1000x128xf32, #tpu.memory_space<vmem>>, vector<1000x128xf32>
    %add3A_27 = arith.addf %get3A_26, %select_n3A : vector<1000x128xf32>
    %swap3A_28 = arith.constant 0 : index
    %swap3A_29 = arith.constant 0 : index
    %swap3A_30 = vector.load %arg5[%swap3A_28, %swap3A_29] : memref<1000x128xf32, #tpu.memory_space<vmem>>, vector<1000x128xf32>
    tpu.vector_store %arg5[%swap3A_28, %swap3A_29], %add3A_27 {strides = array<i32>} : memref<1000x128xf32, #tpu.memory_space<vmem>>, vector<1000x128xf32>,
    return
  }
  func.func @transform_0(%arg0: i32) -> (i32, i32, i32) {
    %c0_i32 = arith.constant 0 : i32
    %c0_i32_0 = arith.constant 0 : i32
    %c0_i32_1 = arith.constant 0 : i32
    return %c0_i32, %arg0, %c0_i32_0 : i32, i32, i32
  }
  func.func @transform_1(%arg0: i32) -> (i32, i32) {
    %c0_i32 = arith.constant 0 : i32
    %c0_i32_0 = arith.constant 0 : i32
    return %arg0, %c0_i32 : i32, i32
  }
  func.func @transform_2(%arg0: i32) -> (i32, i32) {
    %c0_i32 = arith.constant 0 : i32
    %c0_i32_0 = arith.constant 0 : i32
    return %arg0, %c0_i32 : i32, i32
  }
  func.func @transform_3(%arg0: i32) -> (i32, i32) {
    %c0_i32 = arith.constant 0 : i32
    %c0_i32_0 = arith.constant 0 : i32
    return %arg0, %c0_i32 : i32, i32
  }
  func.func @transform_4(%arg0: i32) -> (i32, i32) {
    %c0_i32 = arith.constant 0 : i32
    %c0_i32_0 = arith.constant 0 : i32
    return %arg0, %c0_i32 : i32, i32
  }
}

module attributes {stable_mosaic.version = 14 : i64} {
  func.func @_head_body(%arg0: i32, %arg1: i32, %arg2: memref<2x1000x128xf32, #tpu.memory_space<vmem>>, %arg3: memref<1000x128xf32, #tpu.memory_space<vmem>>, %arg4: memref<1000x128xf32, #tpu.memory_space<vmem>>, %arg5: memref<1000x64xf32, #tpu.memory_space<vmem>>, %arg6: memref<128x256xf32, #tpu.memory_space<vmem>>, %arg7: memref<64x256xf32, #tpu.memory_space<vmem>>, %arg8: memref<1x256xf32, #tpu.memory_space<vmem>>, %arg9: memref<1x256xf32, #tpu.memory_space<vmem>>, %arg10: memref<1x256xf32, #tpu.memory_space<vmem>>, %arg11: memref<1x256xf32, #tpu.memory_space<vmem>>, %arg12: memref<256x40xf32, #tpu.memory_space<vmem>>, %arg13: memref<1x40xf32, #tpu.memory_space<vmem>>, %arg14: memref<1000x40xf32, #tpu.memory_space<vmem>>, %arg15: memref<1x256xf32, #tpu.memory_space<vmem>>, %arg16: memref<1x256xf32, #tpu.memory_space<vmem>>, %arg17: memref<10000x256xf32, #tpu.memory_space<vmem>>) attributes {dimension_semantics = [#tpu.dimension_semantics<arbitrary>, #tpu.dimension_semantics<arbitrary>], iteration_bounds = array<i64: 2, 10>, scalar_prefetch = 0 : i64, scratch_operands = 3 : i64, tpu.core_type = #tpu.core_type<tc>, window_params = [{transform_indices = @transform_0, window_bounds = array<i64: 2, 1000, 128>}, {transform_indices = @transform_1, window_bounds = array<i64: 1000, 128>}, {transform_indices = @transform_2, window_bounds = array<i64: 1000, 128>}, {transform_indices = @transform_3, window_bounds = array<i64: 1000, 64>}, {pipeline_mode = #tpu.pipeline_mode<synchronous>, transform_indices = @transform_4, window_bounds = array<i64: 128, 256>}, {pipeline_mode = #tpu.pipeline_mode<synchronous>, transform_indices = @transform_5, window_bounds = array<i64: 64, 256>}, {pipeline_mode = #tpu.pipeline_mode<synchronous>, transform_indices = @transform_6, window_bounds = array<i64: 1, 256>}, {pipeline_mode = #tpu.pipeline_mode<synchronous>, transform_indices = @transform_7, window_bounds = array<i64: 1, 256>}, {pipeline_mode = #tpu.pipeline_mode<synchronous>, transform_indices = @transform_8, window_bounds = array<i64: 1, 256>}, {pipeline_mode = #tpu.pipeline_mode<synchronous>, transform_indices = @transform_9, window_bounds = array<i64: 1, 256>}, {pipeline_mode = #tpu.pipeline_mode<synchronous>, transform_indices = @transform_10, window_bounds = array<i64: 256, 40>}, {pipeline_mode = #tpu.pipeline_mode<synchronous>, transform_indices = @transform_11, window_bounds = array<i64: 1, 40>}, {transform_indices = @transform_12, window_bounds = array<i64: 1000, 40>}]} {
    %eq3A = arith.constant 0 : i32
    %eq3A_0 = arith.cmpi eq, %arg0, %eq3A : i32
    %eq3A_1 = arith.constant 0 : i32
    %eq3A_2 = arith.cmpi eq, %arg1, %eq3A_1 : i32
    %and3A = arith.andi %eq3A_0, %eq3A_2 : i1
    %convert_element_type3A = arith.extui %and3A : i1 to i32
    %cond3A = arith.constant 0 : i32
    %cond3A_3 = arith.cmpi ne, %convert_element_type3A, %cond3A : i32
    scf.if %cond3A_3 {
      %broadcast_in_dim3A = arith.constant 0.000000e+00 : f32
      %broadcast_in_dim3A_14 = vector.broadcast %broadcast_in_dim3A : f32 to vector<1x256xf32>
      %swap3A = arith.constant 0 : index
      %swap3A_15 = arith.constant 0 : index
      %swap3A_16 = vector.load %arg15[%swap3A, %swap3A_15] : memref<1x256xf32, #tpu.memory_space<vmem>>, vector<1x256xf32>
      tpu.vector_store %arg15[%swap3A, %swap3A_15], %broadcast_in_dim3A_14 {strides = array<i32>} : memref<1x256xf32, #tpu.memory_space<vmem>>, vector<1x256xf32>,
      %broadcast_in_dim3A_17 = arith.constant 0.000000e+00 : f32
      %broadcast_in_dim3A_18 = vector.broadcast %broadcast_in_dim3A_17 : f32 to vector<1x256xf32>
      %swap3A_19 = arith.constant 0 : index
      %swap3A_20 = arith.constant 0 : index
      %swap3A_21 = vector.load %arg16[%swap3A_19, %swap3A_20] : memref<1x256xf32, #tpu.memory_space<vmem>>, vector<1x256xf32>
      tpu.vector_store %arg16[%swap3A_19, %swap3A_20], %broadcast_in_dim3A_18 {strides = array<i32>} : memref<1x256xf32, #tpu.memory_space<vmem>>, vector<1x256xf32>,
    } else {
    }
    %eq3A_4 = arith.constant 0 : i32
    %eq3A_5 = arith.cmpi eq, %arg0, %eq3A_4 : i32
    %convert_element_type3A_6 = arith.extui %eq3A_5 : i1 to i32
    %cond3A_7 = arith.constant 0 : i32
    %cond3A_8 = arith.cmpi ne, %convert_element_type3A_6, %cond3A_7 : i32
    scf.if %cond3A_8 {
      %get3A = arith.constant 0 : index
      %get3A_14 = arith.constant 0 : index
      %get3A_15 = arith.constant 0 : index
      %get3A_16 = vector.load %arg2[%get3A, %get3A_14, %get3A_15] : memref<2x1000x128xf32, #tpu.memory_space<vmem>>, vector<1x1000x128xf32>
      %get3A_17 = vector.shape_cast %get3A_16 : vector<1x1000x128xf32> to vector<1000x128xf32>
      %get3A_18 = arith.constant 1 : index
      %get3A_19 = arith.constant 0 : index
      %get3A_20 = arith.constant 0 : index
      %get3A_21 = vector.load %arg2[%get3A_18, %get3A_19, %get3A_20] : memref<2x1000x128xf32, #tpu.memory_space<vmem>>, vector<1x1000x128xf32>
      %get3A_22 = vector.shape_cast %get3A_21 : vector<1x1000x128xf32> to vector<1000x128xf32>
      %add3A = arith.addf %get3A_17, %get3A_22 : vector<1000x128xf32>
      %get3A_23 = arith.constant 0 : index
      %get3A_24 = arith.constant 0 : index
      %get3A_25 = vector.load %arg3[%get3A_23, %get3A_24] : memref<1000x128xf32, #tpu.memory_space<vmem>>, vector<1000x128xf32>
      %add3A_26 = arith.addf %add3A, %get3A_25 : vector<1000x128xf32>
      %mul3A = arith.mulf %add3A_26, %add3A_26 : vector<1000x128xf32>
      %reduce_sum3A = arith.constant dense<0.000000e+00> : vector<1000xf32>
      %reduce_sum3A_27 = vector.multi_reduction <add>, %mul3A, %reduce_sum3A [1] : vector<1000x128xf32> to vector<1000xf32>
      %broadcast_in_dim3A = vector.shape_cast %reduce_sum3A_27 : vector<1000xf32> to vector<1000x1xf32>
      %sqrt3A = math.sqrt %broadcast_in_dim3A : vector<1000x1xf32>
      %max3A = arith.constant 9.99999996E-13 : f32
      %max3A_28 = vector.broadcast %max3A : f32 to vector<1000x1xf32>
      %max3A_29 = arith.maximumf %sqrt3A, %max3A_28 : vector<1000x1xf32>
      %div3A = vector.broadcast %max3A_29 : vector<1000x1xf32> to vector<1000x128xf32>
      %div3A_30 = arith.divf %add3A_26, %div3A : vector<1000x128xf32>
      %ge3A = arith.constant 0.000000e+00 : f32
      %ge3A_31 = vector.broadcast %ge3A : f32 to vector<1000x128xf32>
      %ge3A_32 = arith.cmpf oge, %div3A_30, %ge3A_31 : vector<1000x128xf32>
      %mul3A_33 = arith.constant 2.000000e-01 : f32
      %mul3A_34 = vector.broadcast %mul3A_33 : f32 to vector<1000x128xf32>
      %mul3A_35 = arith.mulf %mul3A_34, %div3A_30 : vector<1000x128xf32>
      %select_n3A = arith.select %ge3A_32, %div3A_30, %mul3A_35 : vector<1000x128xi1>, vector<1000x128xf32>
      %get3A_36 = arith.constant 0 : index
      %get3A_37 = arith.constant 0 : index
      %get3A_38 = vector.load %arg4[%get3A_36, %get3A_37] : memref<1000x128xf32, #tpu.memory_space<vmem>>, vector<1000x128xf32>
      %add3A_39 = arith.addf %get3A_38, %select_n3A : vector<1000x128xf32>
      %get3A_40 = arith.constant 0 : index
      %get3A_41 = arith.constant 0 : index
      %get3A_42 = vector.load %arg6[%get3A_40, %get3A_41] : memref<128x256xf32, #tpu.memory_space<vmem>>, vector<128x256xf32>
      %dot_general3A = arith.constant dense<0.000000e+00> : vector<1000x256xf32>
      %dot_general3A_43 = tpu.matmul %add3A_39, %get3A_42, %dot_general3A {dimension_numbers = #tpu.dot_dimension_numbers<[1], [0], [0], [1], [0, 0, 1, 1], [], []>, transpose_lhs_hint = false} : vector<1000x128xf32>, vector<128x256xf32>, vector<1000x256xf32> -> vector<1000x256xf32>
      %get3A_44 = arith.constant 0 : index
      %get3A_45 = arith.constant 0 : index
      %get3A_46 = vector.load %arg5[%get3A_44, %get3A_45] : memref<1000x64xf32, #tpu.memory_space<vmem>>, vector<1000x64xf32>
      %get3A_47 = arith.constant 0 : index
      %get3A_48 = arith.constant 0 : index
      %get3A_49 = vector.load %arg7[%get3A_47, %get3A_48] : memref<64x256xf32, #tpu.memory_space<vmem>>, vector<64x256xf32>
      %dot_general3A_50 = arith.constant dense<0.000000e+00> : vector<1000x256xf32>
      %dot_general3A_51 = tpu.matmul %get3A_46, %get3A_49, %dot_general3A_50 {dimension_numbers = #tpu.dot_dimension_numbers<[1], [0], [0], [1], [0, 0, 1, 1], [], []>, transpose_lhs_hint = false} : vector<1000x64xf32>, vector<64x256xf32>, vector<1000x256xf32> -> vector<1000x256xf32>
      %add3A_52 = arith.addf %dot_general3A_43, %dot_general3A_51 : vector<1000x256xf32>
      %get3A_53 = arith.constant 0 : index
      %get3A_54 = arith.constant 0 : index
      %get3A_55 = vector.load %arg8[%get3A_53, %get3A_54] : memref<1x256xf32, #tpu.memory_space<vmem>>, vector<1x256xf32>
      %add3A_56 = vector.broadcast %get3A_55 : vector<1x256xf32> to vector<1000x256xf32>
      %add3A_57 = arith.addf %add3A_52, %add3A_56 : vector<1000x256xf32>
      %mul3A_58 = arith.constant 1000 : i32
      %mul3A_59 = arith.muli %arg1, %mul3A_58 : i32
      %swap3A = arith.index_cast %mul3A_59 : i32 to index
      %swap3A_60 = arith.constant 0 : index
      %swap3A_61 = vector.load %arg17[%swap3A, %swap3A_60] : memref<10000x256xf32, #tpu.memory_space<vmem>>, vector<1000x256xf32>
      tpu.vector_store %arg17[%swap3A, %swap3A_60], %add3A_57 {strides = array<i32>} : memref<10000x256xf32, #tpu.memory_space<vmem>>, vector<1000x256xf32>,
      %get3A_62 = arith.constant 0 : index
      %get3A_63 = arith.constant 0 : index
      %get3A_64 = vector.load %arg15[%get3A_62, %get3A_63] : memref<1x256xf32, #tpu.memory_space<vmem>>, vector<1x256xf32>
      %reduce_sum3A_65 = arith.constant dense<0.000000e+00> : vector<256xf32>
      %reduce_sum3A_66 = vector.multi_reduction <add>, %add3A_57, %reduce_sum3A_65 [0] : vector<1000x256xf32> to vector<256xf32>
      %broadcast_in_dim3A_67 = vector.shape_cast %reduce_sum3A_66 : vector<256xf32> to vector<1x256xf32>
      %add3A_68 = arith.addf %get3A_64, %broadcast_in_dim3A_67 : vector<1x256xf32>
      %swap3A_69 = arith.constant 0 : index
      %swap3A_70 = arith.constant 0 : index
      %swap3A_71 = vector.load %arg15[%swap3A_69, %swap3A_70] : memref<1x256xf32, #tpu.memory_space<vmem>>, vector<1x256xf32>
      tpu.vector_store %arg15[%swap3A_69, %swap3A_70], %add3A_68 {strides = array<i32>} : memref<1x256xf32, #tpu.memory_space<vmem>>, vector<1x256xf32>,
      %get3A_72 = arith.constant 0 : index
      %get3A_73 = arith.constant 0 : index
      %get3A_74 = vector.load %arg16[%get3A_72, %get3A_73] : memref<1x256xf32, #tpu.memory_space<vmem>>, vector<1x256xf32>
      %mul3A_75 = arith.mulf %add3A_57, %add3A_57 : vector<1000x256xf32>
      %reduce_sum3A_76 = arith.constant dense<0.000000e+00> : vector<256xf32>
      %reduce_sum3A_77 = vector.multi_reduction <add>, %mul3A_75, %reduce_sum3A_76 [0] : vector<1000x256xf32> to vector<256xf32>
      %broadcast_in_dim3A_78 = vector.shape_cast %reduce_sum3A_77 : vector<256xf32> to vector<1x256xf32>
      %add3A_79 = arith.addf %get3A_74, %broadcast_in_dim3A_78 : vector<1x256xf32>
      %swap3A_80 = arith.constant 0 : index
      %swap3A_81 = arith.constant 0 : index
      %swap3A_82 = vector.load %arg16[%swap3A_80, %swap3A_81] : memref<1x256xf32, #tpu.memory_space<vmem>>, vector<1x256xf32>
      tpu.vector_store %arg16[%swap3A_80, %swap3A_81], %add3A_79 {strides = array<i32>} : memref<1x256xf32, #tpu.memory_space<vmem>>, vector<1x256xf32>,
    } else {
    }
    %eq3A_9 = arith.constant 1 : i32
    %eq3A_10 = arith.cmpi eq, %arg0, %eq3A_9 : i32
    %convert_element_type3A_11 = arith.extui %eq3A_10 : i1 to i32
    %cond3A_12 = arith.constant 0 : i32
    %cond3A_13 = arith.cmpi ne, %convert_element_type3A_11, %cond3A_12 : i32
    scf.if %cond3A_13 {
      %mul3A = arith.constant 1000 : i32
      %mul3A_14 = arith.muli %arg1, %mul3A : i32
      %get3A = arith.index_cast %mul3A_14 : i32 to index
      %get3A_15 = arith.constant 0 : index
      %get3A_16 = vector.load %arg17[%get3A, %get3A_15] : memref<10000x256xf32, #tpu.memory_space<vmem>>, vector<1000x256xf32>
      %get3A_17 = arith.constant 0 : index
      %get3A_18 = arith.constant 0 : index
      %get3A_19 = vector.load %arg15[%get3A_17, %get3A_18] : memref<1x256xf32, #tpu.memory_space<vmem>>, vector<1x256xf32>
      %mul3A_20 = arith.constant 9.99999974E-5 : f32
      %mul3A_21 = vector.broadcast %mul3A_20 : f32 to vector<1x256xf32>
      %mul3A_22 = arith.mulf %get3A_19, %mul3A_21 : vector<1x256xf32>
      %get3A_23 = arith.constant 0 : index
      %get3A_24 = arith.constant 0 : index
      %get3A_25 = vector.load %arg16[%get3A_23, %get3A_24] : memref<1x256xf32, #tpu.memory_space<vmem>>, vector<1x256xf32>
      %mul3A_26 = arith.constant 9.99999974E-5 : f32
      %mul3A_27 = vector.broadcast %mul3A_26 : f32 to vector<1x256xf32>
      %mul3A_28 = arith.mulf %get3A_25, %mul3A_27 : vector<1x256xf32>
      %mul3A_29 = arith.mulf %mul3A_22, %mul3A_22 : vector<1x256xf32>
      %sub3A = arith.subf %mul3A_28, %mul3A_29 : vector<1x256xf32>
      %sub3A_30 = vector.broadcast %mul3A_22 : vector<1x256xf32> to vector<1000x256xf32>
      %sub3A_31 = arith.subf %get3A_16, %sub3A_30 : vector<1000x256xf32>
      %add3A = arith.constant 9.99999974E-6 : f32
      %add3A_32 = vector.broadcast %add3A : f32 to vector<1x256xf32>
      %add3A_33 = arith.addf %sub3A, %add3A_32 : vector<1x256xf32>
      %rsqrt3A = math.rsqrt %add3A_33 : vector<1x256xf32>
      %mul3A_34 = vector.broadcast %rsqrt3A : vector<1x256xf32> to vector<1000x256xf32>
      %mul3A_35 = arith.mulf %sub3A_31, %mul3A_34 : vector<1000x256xf32>
      %get3A_36 = arith.constant 0 : index
      %get3A_37 = arith.constant 0 : index
      %get3A_38 = vector.load %arg9[%get3A_36, %get3A_37] : memref<1x256xf32, #tpu.memory_space<vmem>>, vector<1x256xf32>
      %mul3A_39 = vector.broadcast %get3A_38 : vector<1x256xf32> to vector<1000x256xf32>
      %mul3A_40 = arith.mulf %mul3A_35, %mul3A_39 : vector<1000x256xf32>
      %get3A_41 = arith.constant 0 : index
      %get3A_42 = arith.constant 0 : index
      %get3A_43 = vector.load %arg10[%get3A_41, %get3A_42] : memref<1x256xf32, #tpu.memory_space<vmem>>, vector<1x256xf32>
      %add3A_44 = vector.broadcast %get3A_43 : vector<1x256xf32> to vector<1000x256xf32>
      %add3A_45 = arith.addf %mul3A_40, %add3A_44 : vector<1000x256xf32>
      %ge3A = arith.constant 0.000000e+00 : f32
      %ge3A_46 = vector.broadcast %ge3A : f32 to vector<1000x256xf32>
      %ge3A_47 = arith.cmpf oge, %add3A_45, %ge3A_46 : vector<1000x256xf32>
      %get3A_48 = arith.constant 0 : index
      %get3A_49 = arith.constant 0 : index
      %get3A_50 = vector.load %arg11[%get3A_48, %get3A_49] : memref<1x256xf32, #tpu.memory_space<vmem>>, vector<1x256xf32>
      %mul3A_51 = vector.broadcast %get3A_50 : vector<1x256xf32> to vector<1000x256xf32>
      %mul3A_52 = arith.mulf %mul3A_51, %add3A_45 : vector<1000x256xf32>
      %select_n3A = arith.select %ge3A_47, %add3A_45, %mul3A_52 : vector<1000x256xi1>, vector<1000x256xf32>
      %get3A_53 = arith.constant 0 : index
      %get3A_54 = arith.constant 0 : index
      %get3A_55 = vector.load %arg12[%get3A_53, %get3A_54] : memref<256x40xf32, #tpu.memory_space<vmem>>, vector<256x40xf32>
      %dot_general3A = arith.constant dense<0.000000e+00> : vector<1000x40xf32>
      %dot_general3A_56 = tpu.matmul %select_n3A, %get3A_55, %dot_general3A {dimension_numbers = #tpu.dot_dimension_numbers<[1], [0], [0], [1], [0, 0, 1, 1], [], []>, transpose_lhs_hint = false} : vector<1000x256xf32>, vector<256x40xf32>, vector<1000x40xf32> -> vector<1000x40xf32>
      %get3A_57 = arith.constant 0 : index
      %get3A_58 = arith.constant 0 : index
      %get3A_59 = vector.load %arg13[%get3A_57, %get3A_58] : memref<1x40xf32, #tpu.memory_space<vmem>>, vector<1x40xf32>
      %add3A_60 = vector.broadcast %get3A_59 : vector<1x40xf32> to vector<1000x40xf32>
      %add3A_61 = arith.addf %dot_general3A_56, %add3A_60 : vector<1000x40xf32>
      %swap3A = arith.constant 0 : index
      %swap3A_62 = arith.constant 0 : index
      %swap3A_63 = vector.load %arg14[%swap3A, %swap3A_62] : memref<1000x40xf32, #tpu.memory_space<vmem>>, vector<1000x40xf32>
      tpu.vector_store %arg14[%swap3A, %swap3A_62], %add3A_61 {strides = array<i32>} : memref<1000x40xf32, #tpu.memory_space<vmem>>, vector<1000x40xf32>,
    } else {
    }
    return
  }
  func.func @transform_0(%arg0: i32, %arg1: i32) -> (i32, i32, i32) {
    %sub3A = arith.constant 1 : i32
    %sub3A_0 = arith.subi %sub3A, %arg0 : i32
    %mul3A = arith.muli %arg1, %sub3A_0 : i32
    %c0_i32 = arith.constant 0 : i32
    %c0_i32_1 = arith.constant 0 : i32
    %c0_i32_2 = arith.constant 0 : i32
    return %c0_i32, %mul3A, %c0_i32_1 : i32, i32, i32
  }
  func.func @transform_1(%arg0: i32, %arg1: i32) -> (i32, i32) {
    %sub3A = arith.constant 1 : i32
    %sub3A_0 = arith.subi %sub3A, %arg0 : i32
    %mul3A = arith.muli %arg1, %sub3A_0 : i32
    %c0_i32 = arith.constant 0 : i32
    %c0_i32_1 = arith.constant 0 : i32
    return %mul3A, %c0_i32 : i32, i32
  }
  func.func @transform_2(%arg0: i32, %arg1: i32) -> (i32, i32) {
    %sub3A = arith.constant 1 : i32
    %sub3A_0 = arith.subi %sub3A, %arg0 : i32
    %mul3A = arith.muli %arg1, %sub3A_0 : i32
    %c0_i32 = arith.constant 0 : i32
    %c0_i32_1 = arith.constant 0 : i32
    return %mul3A, %c0_i32 : i32, i32
  }
  func.func @transform_3(%arg0: i32, %arg1: i32) -> (i32, i32) {
    %sub3A = arith.constant 1 : i32
    %sub3A_0 = arith.subi %sub3A, %arg0 : i32
    %mul3A = arith.muli %arg1, %sub3A_0 : i32
    %c0_i32 = arith.constant 0 : i32
    %c0_i32_1 = arith.constant 0 : i32
    return %mul3A, %c0_i32 : i32, i32
  }
  func.func @transform_4(%arg0: i32, %arg1: i32) -> (i32, i32) {
    %c0_i32 = arith.constant 0 : i32
    %c0_i32_0 = arith.constant 0 : i32
    %c0_i32_1 = arith.constant 0 : i32
    return %c0_i32, %c0_i32_0 : i32, i32
  }
  func.func @transform_5(%arg0: i32, %arg1: i32) -> (i32, i32) {
    %c0_i32 = arith.constant 0 : i32
    %c0_i32_0 = arith.constant 0 : i32
    %c0_i32_1 = arith.constant 0 : i32
    return %c0_i32, %c0_i32_0 : i32, i32
  }
  func.func @transform_6(%arg0: i32, %arg1: i32) -> (i32, i32) {
    %c0_i32 = arith.constant 0 : i32
    %c0_i32_0 = arith.constant 0 : i32
    %c0_i32_1 = arith.constant 0 : i32
    return %c0_i32, %c0_i32_0 : i32, i32
  }
  func.func @transform_7(%arg0: i32, %arg1: i32) -> (i32, i32) {
    %c0_i32 = arith.constant 0 : i32
    %c0_i32_0 = arith.constant 0 : i32
    %c0_i32_1 = arith.constant 0 : i32
    return %c0_i32, %c0_i32_0 : i32, i32
  }
  func.func @transform_8(%arg0: i32, %arg1: i32) -> (i32, i32) {
    %c0_i32 = arith.constant 0 : i32
    %c0_i32_0 = arith.constant 0 : i32
    %c0_i32_1 = arith.constant 0 : i32
    return %c0_i32, %c0_i32_0 : i32, i32
  }
  func.func @transform_9(%arg0: i32, %arg1: i32) -> (i32, i32) {
    %c0_i32 = arith.constant 0 : i32
    %c0_i32_0 = arith.constant 0 : i32
    %c0_i32_1 = arith.constant 0 : i32
    return %c0_i32, %c0_i32_0 : i32, i32
  }
  func.func @transform_10(%arg0: i32, %arg1: i32) -> (i32, i32) {
    %c0_i32 = arith.constant 0 : i32
    %c0_i32_0 = arith.constant 0 : i32
    %c0_i32_1 = arith.constant 0 : i32
    return %c0_i32, %c0_i32_0 : i32, i32
  }
  func.func @transform_11(%arg0: i32, %arg1: i32) -> (i32, i32) {
    %c0_i32 = arith.constant 0 : i32
    %c0_i32_0 = arith.constant 0 : i32
    %c0_i32_1 = arith.constant 0 : i32
    return %c0_i32, %c0_i32_0 : i32, i32
  }
  func.func @transform_12(%arg0: i32, %arg1: i32) -> (i32, i32) {
    %c0_i32 = arith.constant 0 : i32
    %c0_i32_0 = arith.constant 0 : i32
    return %arg1, %c0_i32 : i32, i32
  }
}

</mosaic_0001>

<sc_bundles>
// kernel: kernel.12.cloned.1.call-start
scs
__scs_entry_jumppad:
0x0: {  	(pc) =	sbr.rel $0x88, $3  }
0x1: {  	(tag) =	ssettag $0x0;
	lr =	simm.s32 $0x1  }
0x2: {  	[smem:$0x3F92] =	sst lr;
	_ =	strace $0xD0000000  }
0x3: {  	_ = 	snop  }
0x4: {  	_ = 	snop  }
0x5: {  	_ = 	snop  }
0x6: {  	_ = 	snop  }
0x7: {  	_ = 	snop  }
__scs_overlays_trampoline_lowered:
0x8: {  	[smem:$0x3FA1] =	sst s0  }
0x9: {  	[smem:$0x3FA2] =	sst s1  }
0xa: {  	[smem:$0x3FA3] =	sst s2  }
0xb: {  	[smem:$0x3FA4] =	sst s3  }
0xc: {  	[smem:$0x3FA5] =	sst s4  }
0xd: {  	[smem:$0x3FA6] =	sst s5  }
0xe: {  	[smem:$0x3FA7] =	sst s6  }
0xf: {  	[smem:$0x3FA8] =	sst s7  }
0x10: {  	[smem:$0x3FA9] =	sst s8  }
0x11: {  	[smem:$0x3FAA] =	sst s9;
	s0 =	simm.s32 @!p0 $0x0  }
0x12: {  	s1 =	sld [smem:$0x3F90];
	s0 =	simm.s32 @p0 $0x1  }
0x13: {  	[smem:$0x3FAB] =	sst s0;
	s0 =	simm.s32 @!p1 $0x0  }
0x14: {  	s2 =	sld [smem:$0x3F8F];
	s0 =	simm.s32 @p1 $0x1  }
0x15: {  	[smem:$0x3FAC] =	sst s0;
	s0 =	simm.s32 @!p2 $0x0  }
0x16: {  	s3 =	sld [smem:$0x3FDB];
	s0 =	simm.s32 @p2 $0x1  }
0x17: {  	s4 =	simm.s32 $0x1BF5;
	[smem:$0x3FAE] =	sst s0  }
0x18: {  	s0 =	sld [smem:$0x3F91];
	_ =	swait.ge [sflag:s4], $0x0  }
0x19: {  	s7 =	sld [smem:$0x3F92]  }
0x1a: {  	s8 =	sadd.s32 $0xFFFFE003, lr  }
0x1b: {  	s9 =	sadd.s32 $0xFFFFFEF7, lr;
	s5 =	simm.s32 $0xFFFFFFFF;
	p2 =	slt.u32 s8, $0xFFFFF086  }
0x1c: {  	p1 =	slt.u32 s9, $0xF7A;
	s5 =	simm.s32 @!p2 $0x0  }
0x1d: {  	s5 =	simm.s32 @p1 $0x1;
	p0 =	seq.s32 s7, s2  }
0x1e: {  	s7 =	smul.u32 @!p0 $0xF7A, s2;
	p2 =	seq.s32 @!p0 s5, $0x0  }
0x1f: {  	s9 =	smul.u32 $0xF7A, s1;
	s8 =	simm.s32 @!p0 $0x1BF5;
	p2 =	por !p2, p0  }
0x20: {  	[sflag:s8] =	ssyncset.s32 @!p0 $0xFFFFF086;
	s6 =	sadd.s32 @!p0 s3, s7;
	s7 =	simm.s32 @!p0 $0x108  }
0x21: {  	s3 =	sadd.s32 s3, s9;
	s6 =	sadd.s32 @!p0 $0x88, s6;
	s7 =	simm.s32 @p2 $0x1082  }
0x22: {  	[simem:s7], [sflag:s8] =	dma.local @!p0 [hbm:s6], $0xF7A  }
0x23: {  	s9 =	sor.u32 $0xD0000000, s2;
	s6 =	simm.s32 $0x108;
	_ =	swait.ge @!p0 [sflag:s8], $0x0  }
0x24: {  	s3 =	sadd.s32 $0x88, s3;
	s6 =	simm.s32 @!p1 $0x1082;
	[sflag:s4] =	ssyncset.s32 $0xFFFFF086  }
0x25: {  	[simem:s6], [sflag:s4] =	dma.local [hbm:s3], $0xF7A  }
0x26: {  	[smem:$0x3F92] =	sst s1;
	(tag) =	ssettag s2;
	_ =	strace s9  }
0x27: {  	s1 =	sld [smem:$0x3FA2]  }
0x28: {  	s2 =	sld [smem:$0x3FA3]  }
0x29: {  	s4 =	sld [smem:$0x3FA5]  }
0x2a: {  	p0 =	seq.s32 s5, $0x0;
	s5 =	sld [smem:$0x3FA6]  }
0x2b: {  	s6 =	sld [smem:$0x3FA7]  }
0x2c: {  	s7 =	sld [smem:$0x3FA8]  }
0x2d: {  	s3 =	simm.s32 $0x108;
	s8 =	sld [smem:$0x3FA9]  }
0x2e: {  	s3 =	simm.s32 @!p0 $0x1082;
	s9 =	sld [smem:$0x3FAA]  }
0x2f: {  	lr =	sadd.s32 s0, s3;
	s0 =	sld [smem:$0x3FA1]  }
0x30: {  	s3 =	sld [smem:$0x3FA4]  }
0x31: {  	[smem:$0x3FAD] =	sst s10  }
0x32: {  	s10 =	sld [smem:$0x3FAB];
	_ =	sdelay $0x3  }
0x33: {  	p0 =	seq.s32 s10, $0x1;
	s10 =	sld [smem:$0x3FAD];
	_ =	sdelay $0x3  }
0x34: {  	[smem:$0x3FAD] =	sst s10  }
0x35: {  	s10 =	sld [smem:$0x3FAC];
	_ =	sdelay $0x3  }
0x36: {  	p1 =	seq.s32 s10, $0x1;
	s10 =	sld [smem:$0x3FAD];
	_ =	sdelay $0x3  }
0x37: {  	[smem:$0x3FAD] =	sst s10  }
0x38: {  	s10 =	sld [smem:$0x3FAE]  }
0x39: {  	_ = 	snop;
	(pc) =	sbr.ind lr, $3  }
0x3a: {  	_ = 	snop  }
0x3b: {  	_ = 	snop  }
0x3c: {  	p2 =	seq.s32 s10, $0x1;
	s10 =	sld [smem:$0x3FAD]  }
0x3d: {  	_ =	shalt  }
0x3e: {  	_ =	shalt  }
0x3f: {  	_ =	shalt  }
0x40: {  	_ =	shalt  }
0x41: {  	_ =	shalt  }
0x42: {  	_ =	shalt  }
0x43: {  	_ =	shalt  }
0x44: {  	_ =	shalt  }
0x45: {  	_ =	shalt  }
0x46: {  	_ =	shalt  }
0x47: {  	_ =	shalt  }
0x48: {  	_ =	shalt  }
0x49: {  	_ =	shalt  }
0x4a: {  	_ =	shalt  }
0x4b: {  	_ =	shalt  }
0x4c: {  	_ =	shalt  }
0x4d: {  	_ =	shalt  }
0x4e: {  	_ =	shalt  }
0x4f: {  	_ =	shalt  }
0x50: {  	_ =	shalt  }
0x51: {  	_ =	shalt  }
0x52: {  	_ =	shalt  }
0x53: {  	_ =	shalt  }
0x54: {  	_ =	shalt  }
0x55: {  	_ =	shalt  }
0x56: {  	_ =	shalt  }
0x57: {  	_ =	shalt  }
0x58: {  	_ =	shalt  }
0x59: {  	_ =	shalt  }
0x5a: {  	_ =	shalt  }
0x5b: {  	_ =	shalt  }
0x5c: {  	_ =	shalt  }
0x5d: {  	_ =	shalt  }
0x5e: {  	_ =	shalt  }
0x5f: {  	_ =	shalt  }
0x60: {  	_ =	shalt  }
0x61: {  	_ =	shalt  }
0x62: {  	_ =	shalt  }
0x63: {  	_ =	shalt  }
0x64: {  	_ =	shalt  }
0x65: {  	_ =	shalt  }
0x66: {  	_ =	shalt  }
0x67: {  	_ =	shalt  }
0x68: {  	_ =	shalt  }
0x69: {  	_ =	shalt  }
0x6a: {  	_ =	shalt  }
0x6b: {  	_ =	shalt  }
0x6c: {  	_ =	shalt  }
0x6d: {  	_ =	shalt  }
0x6e: {  	_ =	shalt  }
0x6f: {  	_ =	shalt  }
0x70: {  	_ =	shalt  }
0x71: {  	_ =	shalt  }
0x72: {  	_ =	shalt  }
0x73: {  	_ =	shalt  }
0x74: {  	_ =	shalt  }
0x75: {  	_ =	shalt  }
0x76: {  	_ =	shalt  }
0x77: {  	_ =	shalt  }
0x78: {  	_ =	shalt  }
0x79: {  	_ =	shalt  }
0x7a: {  	_ =	shalt  }
0x7b: {  	_ =	shalt  }
0x7c: {  	_ =	shalt  }
0x7d: {  	_ =	shalt  }
0x7e: {  	_ =	shalt  }
0x7f: {  	_ =	shalt  }
0x80: {  	_ =	shalt  }
0x81: {  	_ =	shalt  }
0x82: {  	_ =	shalt  }
0x83: {  	_ =	shalt  }
0x84: {  	_ =	shalt  }
0x85: {  	_ =	shalt  }
0x86: {  	_ =	shalt  }
0x87: {  	_ =	shalt  }
.Lfunc_end0:
.L_simem_size_0:
called_computation.2_lowered:
.L_overlay_start_0:
0x88: {  	s2 =	sld [smem:$0x3FD9]  }
0x89: {  	s3 =	sld [smem:$0x3FFE];
	_ =	sdelay $0x1  }
0x8a: {  	s1 =	srdreg.scid  }
0x8b: {  	s0 =	sand.u32 $0x1, s1  }
0x8c: {  	s16 =	sshll.u32 s0, $0xA;
	s2 =	sadd.s32 s3, s2  }
0x8d: {  	s2 =	sadd.s32 s2, s16  }
0x8e: {  	[smem:$0x3FB9] =	sst s2  }
0x8f: {  	_ = 	snop  }
0x90: {  	(tm) =	ssettm $0x1  }
0x91: {  	s17 =	sld [smem:$0x3FFB];
	_ =	sdelay $0x3  }
0x92: {  	_ =	strace s17  }
0x93: {  	s2 =	sld [smem:$0x3FFC];
	_ =	sdelay $0x3  }
0x94: {  	_ =	strace s2  }
0x95: {  	s2 =	sld [smem:$0x3FFD];
	_ =	sdelay $0x3  }
0x96: {  	_ =	strace s2  }
0x97: {  	_ =	strace $0x8FFFFFFF  }
0x98: {  	s18 =	sld [smem:$0x3FDB];
	_ =	sdelay $0x1  }
0x99: {  	s19 =	simm.s32 $_scs_section_size  }
0x9a: {  	s4 =	simm.s32 $_size__tile_overlayer_lowered;
	s5 =	simm.s32 $_tile_overlayer_lowered  }
0x9b: {  	s22 =	simm.s32 $0x1BFF;
	s21 =	sshll.u32 s5, $0x1;
	s2 =	sadd.s32 s19, s18  }
0x9c: {  	s6 =	simm.s32 $0x0;
	s20 =	sshll.u32 s4, $0x1;
	s4 =	sadd.s32 s21, s2  }
0x9d: {  	[timem:s6], [sflag:s22] =	dma.local [hbm:s4], s20  }
0x9e: {  	_ =	swait.ge [sflag:s22], s20  }
0x9f: {  	s3 =	ssub.s32 $0x0, s20;
	[sflag:s22] =	ssyncset.done $0x0  }
0xa0: {  	[sflag:s22] =	ssyncadd.s32 s3;
	_ =	sdelay $0x1  }
0xa1: {  	s23 =	simm.s32 $0x1B8B  }
0xa2: {  	_ =	swait.ge [sflag:s23], $0x1  }
0xa3: {  	[sflag:s23] =	ssyncset.done $0x0  }
0xa4: {  	s25 =	simm.s32 $0x1B8E;
	s24 =	sld [smem:$0x3FFE];
	[sflag:s23] =	ssyncadd.s32 $0xFFFFFFFF  }
0xa5: {  	s26 =	simm.s32 $execute0_lowered;
	[smem:$0x3FD2] =	sst s25  }
0xa6: {  	s4 =	sshll.u32 s26, $0x1;
	_ =	strace $0x8000004C;
	[dreg:$0x1] =	wrdreg $0xFFFFFFFF  }
0xa7: {  	s28 =	simm.s32 $_size_execute0_lowered;
	s2 =	sadd.s32 s2, s4;
	[dreg:$0x0] =	wrdreg $0x0  }
0xa8: {  	s4 =	sshll.u32 s28, $0x1;
	[dreg:$0x2] =	wrdreg s2  }
0xa9: {  	[dreg:$0x3] =	wrdreg s4  }
0xaa: {  	[dreg:$0x4] =	wrdreg $0xC0  }
0xab: {  	_ =	task [dreg:s6], $0x5FFFF  }
0xac: {  	[dreg:$0x1] =	wrdreg $0xFFFFFFFF  }
0xad: {  	[dreg:$0x0] =	wrdreg $0x60  }
0xae: {  	[dreg:$0x2] =	wrdreg s24  }
0xaf: {  	[dreg:$0x3] =	wrdreg $0x0  }
0xb0: {  	[dreg:$0x4] =	wrdreg $0x9  }
0xb1: {  	_ =	task.clear_ibuf [dreg:s6], $0x5FFFF;
	_ =	strace $0x9000004C  }
0xb2: {  	s29 =	simm.s32 $0x9;
	_ =	strace $0x8000004E  }
0xb3: {  	_ =	swait.ge [sflag:s29], $0x1  }
0xb4: {  	[sflag:s29] =	ssyncadd.s32 $0xFFFFFFFF  }
0xb5: {  	_ =	strace $0x9000004E  }
0xb6: {  	_ =	sfence  }
0xb7: {  	s30 =	sld [smem:$0x0];
	_ =	sdelay $0x2  }
0xb8: {  	s31 =	sshll.u32 s1, $0xD;
	s1 =	sshrl.u32 s1, $0x2  }
0xb9: {  	s3 =	sand.u32 $0x4000, s31;
	s1 =	sadd.s32 s1, s30  }
0xba: {  	s0 =	sor.u32 s3, s0;
	s1 =	sshll.u32 s1, $0x11  }
0xbb: {  	s0 =	sor.u32 s1, s0  }
0xbc: {  	s0 =	sadd.s32 $0x8F2B, s0  }
0xbd: {  	[sflag:s0] =	ssyncadd.remote.s32 $0x1  }
0xbe: {  	_ =	sfence.sel $0xFFFF  }
0xbf: {  	[dreg:$0x0] =	wrdreg $0xFFFFFFFF;
	(pc) =	sbr.abs _section_cstart, $3  }
0xc0: {  	[dreg:$0x1] =	wrdreg $0xFFFFFFFF  }
0xc1: {  	_ =	task.clear_ibuf [dreg:s6], $0x2FFFF;
	_ =	strace $0x9FFFFFFF  }
0xc2: {  	(tm) =	ssettm $0x7FFFFFFF  }
0xc3: {  	_ =	shalt  }
tec
execute0_lowered:
.L_overlay_start_1:
0x0: {  	(tag) =	ssettag $0x1  }
0x1: {  	s5 =	rddreg [dreg:$0x0]  }
0x2: {  	s2 =	rddreg [dreg:$0x1]  }
0x3: {  	s0 =	rddreg [dreg:$0x2]  }
0x4: {  	s1 =	stileid.u32;
	s4 =	srdreg.scid  }
0x5: {  	s3 =	simm.s32 $0x0;
	s14 =	simm.s32 $0x13D00;
	s15 =	simm.s32 $0x1  }
0x6: {  	s16 =	simm.s32 $0x13C80;
	s17 =	simm.s32 $0x0;
	s6 =	smul.u32 $0x13C00, s1  }
0x7: {  	s7 =	sand.u32 $0x1, s4;
	[smem:$0x7FF] =	sst s3;
	s8 =	sshll.u32 s1, $0x6  }
0x8: {  	s4 =	sadd.s32 $0x3800, s5;
	s9 =	smul.u32 $0x13C000, s7;
	_ =	strace $0x8000004D  }
0x9: {  	s10 =	sadd.s32 s8, s5;
	s12 =	ssub.s32 $0x2, s7;
	s30 =	sshll.u32 s7, $0x5  }
0xa: {  	s11 =	sshrl.u32 s6, $0x3;
	s13 =	sshrl.u32 s12, $0x1;
	s29 =	sadd.s32 s6, s2  }
0xb: {  	s31 =	sadd.s32 s30, s10;
	s9 =	sadd.s32 s6, s9;
	s11 =	sadd.s32 s11, s5  }
0xc: {  	s12 =	ssub.s32 s12, s13;
	s6 =	sor.u32 $0x1C02, s8;
	s10 =	sshrl.u32 s29, $0x3  }
0xd: {  	s13 =	simm.s32 $0x80;
	s9 =	sshrl.u32 s9, $0x3;
	s8 =	smax.u32 s12, $0x1  }
0xe: {  	s12 =	simm.s32 $0x13C00;
	s9 =	sadd.s32 s9, s5;
	s5 =	sadd.s32 $0x13F800, s11  }
0xf: {  	s11 =	simm.s32 $0x2;
	s7 =	sadd.s32 $0x2AA00, s9;
	s9 =	sadd.s32 $0x645200, s31  }
.LBB2_1:
0x10: {  	[spmem:s10], [sflag:s6] =	dma.local [hbm:s5], $0x2780  }
0x11: {  	_ =	swait.ge [sflag:s11], $0x2780  }
0x12: {  	[sflag:s11] =	ssyncset.done $0x0  }
0x13: {  	[sflag:s11] =	ssyncadd.s32 $0xFFFFD880  }
0x14: {  	s18 =	sadd.s32 $0x0, s9;
	[bflag:$0x0] =	sbarrier.arrive $0xFFFF  }
0x15: {  	[tilespmem:s12], [sflag:$0x2] =	stream.linear.gather [hbm4b:s18+s3], $0x100, $0x38;
	[tilespmem:$0x17D00] =	vst v63  }
0x16: {  	_ =	swait.ge [sflag:s11], $0x100  }
0x17: {  	[sflag:s11] =	ssyncset.done $0x0  }
0x18: {  	[sflag:s11] =	ssyncadd.s32 $0xFFFFFF00  }
0x19: {  	[tilespmem:s14], [sflag:$0x1] =	stream.indirect.gather [hbm4b:s4+s13], $0x80, s12, s13, $0xb8;
	[tilespmem:$0x17D00] =	vst v63  }
0x1a: {  	_ =	swait.ge [sflag:s15], $0x4000  }
0x1b: {  	[sflag:s15] =	ssyncset.done $0x0  }
0x1c: {  	[sflag:s15] =	ssyncadd.s32 $0xFFFFC000  }
0x1d: {  	[spmem:s2] =	stream.indirect.scatter.add.f32 [tilespmem:s14], [sflag:$0x2], $0x80, s16, s13, $0xb8;
	[tilespmem:$0x17D00] =	vst v63  }
0x1e: {  	_ =	swait.ge [sflag:s11], $0x4000  }
0x1f: {  	s19 =	simm.s32 $0x800;
	s18 =	simm.s32 $0x400;
	[sflag:s11] =	ssyncset.done $0x0  }
.LBB2_2:
0x20: {  	s20 =	sadd.s32 s18, s9  }
0x21: {  	[sflag:s11] =	ssyncadd.s32 $0xFFFFC000;
	s18 =	smov.u32 s19;
	s21 =	sadd.s32 $0x400, s19  }
0x22: {  	[tilespmem:s12], [sflag:$0x2] =	stream.linear.gather [hbm4b:s20+s3], $0x100, $0x38;
	[tilespmem:$0x17D00] =	vst v63  }
0x23: {  	p0 =	sne.s32 s19, $0x13800;
	_ =	swait.ge [sflag:s11], $0x100  }
0x24: {  	[sflag:s11] =	ssyncset.done $0x0  }
0x25: {  	[sflag:s11] =	ssyncadd.s32 $0xFFFFFF00  }
0x26: {  	[tilespmem:s14], [sflag:$0x1] =	stream.indirect.gather [hbm4b:s4+s13], $0x80, s12, s13, $0xb8;
	[tilespmem:$0x17D00] =	vst v63  }
0x27: {  	_ =	swait.ge [sflag:s15], $0x4000  }
.Ltmp0:
0x28: {  	[sflag:s15] =	ssyncset.done $0x0;
	(pc) =	sbr.rel @p0 .LBB2_2-.Ltmp0, $4  }
0x29: {  	[sflag:s15] =	ssyncadd.s32 $0xFFFFC000  }
0x2a: {  	[spmem:s2] =	stream.indirect.scatter.add.f32 [tilespmem:s14], [sflag:$0x2], $0x80, s16, s13, $0xb8;
	[tilespmem:$0x17D00] =	vst v63  }
0x2b: {  	_ =	swait.ge [sflag:s11], $0x4000  }
0x2c: {  	s19 =	smov.u32 s21;
	[sflag:s11] =	ssyncset.done $0x0  }
0x2d: {  	s18 =	sadd.s32 s18, s9;
	[sflag:s11] =	ssyncadd.s32 $0xFFFFC000  }
0x2e: {  	[tilespmem:s12], [sflag:$0x2] =	stream.linear.gather [hbm4b:s18+s3], $0x100, $0x38;
	[tilespmem:$0x17D00] =	vst v63  }
0x2f: {  	_ =	swait.ge [sflag:s11], $0x100  }
0x30: {  	[sflag:s11] =	ssyncset.done $0x0  }
0x31: {  	[sflag:s11] =	ssyncadd.s32 $0xFFFFFF00  }
0x32: {  	[tilespmem:s14], [sflag:$0x1] =	stream.indirect.gather [hbm4b:s4+s13], $0x80, s12, s13, $0xb8;
	[tilespmem:$0x17D00] =	vst v63  }
0x33: {  	_ =	swait.ge [sflag:s15], $0x4000  }
0x34: {  	[sflag:s15] =	ssyncset.done $0x0  }
0x35: {  	[sflag:s15] =	ssyncadd.s32 $0xFFFFC000  }
0x36: {  	[spmem:s2] =	stream.indirect.scatter.add.f32 [tilespmem:s14], [sflag:$0x2], $0x80, s16, s13, $0xb8;
	[tilespmem:$0x17D00] =	vst v63  }
0x37: {  	_ =	swait.ge [sflag:s11], $0x4000  }
0x38: {  	s17 =	sadd.s32 $0x1, s17;
	[sflag:s11] =	ssyncset.done $0x0  }
0x39: {  	p0 =	sne.s32 s17, s8;
	[sflag:s11] =	ssyncadd.s32 $0xFFFFC000  }
.Ltmp1:
0x3a: {  	[bflag:$0x0] =	sbarrier.arrive $0xFFFF;
	(pc) =	sbr.rel @p0 .LBB2_1-.Ltmp1, $4  }
0x3b: {  	[hbm:s7], [sflag:s6] =	dma.local [spmem:s10], $0x2780  }
0x3c: {  	_ =	swait.ge [sflag:s11], $0x2780  }
0x3d: {  	[sflag:s11] =	ssyncset.done $0x0  }
0x3e: {  	[sflag:s11] =	ssyncadd.s32 $0xFFFFD880  }
0x3f: {  	_ =	sfence.sel $0x180000  }
0x40: {  	[bflag:$0x0] =	sbarrier.arrive $0xFFFF  }
0x41: {  	p0 =	sne.s32 s1, $0x0;
	_ =	strace $0x9000004D  }
0x42: {  	s0 =	sadd.s32 @!p0 $0x100000, s0;
	[bflag:$0x2] =	sbarrier.arrive $0xFFFF  }
0x43: {  	[sflag:s0] =	ssyncadd.tile.s32 @!p0 $0x1;
	_ =	shalt  }
.Lfunc_end2:
_tile_overlayer_lowered:
.L_overlay_start_2:
0x44: {  	(tag) =	ssettag $0x2  }
0x45: {  	s0 =	rddreg [dreg:$0x0];
	s2 =	stileid.u32  }
0x46: {  	s1 =	rddreg [dreg:$0x1];
	p0 =	sne.s32 s2, $0x0  }
0x47: {  	s3 =	rddreg [dreg:$0x2];
	[bflag:$0x3] =	sbarrier.arrive $0xFFFF;
	s2 =	simm.s32 @!p0 $0x1C02  }
0x48: {  	[timem:s3], [sflag:s2] =	dma.local @!p0 [hbm:s0], s1  }
0x49: {  	s0 =	simm.s32 @!p0 $0x2  }
0x4a: {  	_ =	swait.ge @!p0 [sflag:s0], s1  }
0x4b: {  	s1 =	ssub.s32 @!p0 $0x0, s1;
	[sflag:s0] =	ssyncset.done @!p0 $0x0  }
0x4c: {  	[sflag:s0] =	ssyncadd.s32 @!p0 s1  }
0x4d: {  	[bflag:$0x3] =	sbarrier.arrive $0xFFFF  }
0x4e: {  	_ =	shalt  }

// kernel: kernel.15.cloned.1.call-start
scs
__scs_entry_jumppad:
0x0: {  	(pc) =	sbr.rel $0x88, $3  }
0x1: {  	(tag) =	ssettag $0x0;
	lr =	simm.s32 $0x1  }
0x2: {  	[smem:$0x3F92] =	sst lr;
	_ =	strace $0xD0000000  }
0x3: {  	_ = 	snop  }
0x4: {  	_ = 	snop  }
0x5: {  	_ = 	snop  }
0x6: {  	_ = 	snop  }
0x7: {  	_ = 	snop  }
__scs_overlays_trampoline_lowered:
0x8: {  	[smem:$0x3FA1] =	sst s0  }
0x9: {  	[smem:$0x3FA2] =	sst s1  }
0xa: {  	[smem:$0x3FA3] =	sst s2  }
0xb: {  	[smem:$0x3FA4] =	sst s3  }
0xc: {  	[smem:$0x3FA5] =	sst s4  }
0xd: {  	[smem:$0x3FA6] =	sst s5  }
0xe: {  	[smem:$0x3FA7] =	sst s6  }
0xf: {  	[smem:$0x3FA8] =	sst s7  }
0x10: {  	[smem:$0x3FA9] =	sst s8  }
0x11: {  	[smem:$0x3FAA] =	sst s9;
	s0 =	simm.s32 @!p0 $0x0  }
0x12: {  	s1 =	sld [smem:$0x3F90];
	s0 =	simm.s32 @p0 $0x1  }
0x13: {  	[smem:$0x3FAB] =	sst s0;
	s0 =	simm.s32 @!p1 $0x0  }
0x14: {  	s2 =	sld [smem:$0x3F8F];
	s0 =	simm.s32 @p1 $0x1  }
0x15: {  	[smem:$0x3FAC] =	sst s0;
	s0 =	simm.s32 @!p2 $0x0  }
0x16: {  	s3 =	sld [smem:$0x3FDB];
	s0 =	simm.s32 @p2 $0x1  }
0x17: {  	s4 =	simm.s32 $0x1BF5;
	[smem:$0x3FAE] =	sst s0  }
0x18: {  	s0 =	sld [smem:$0x3F91];
	_ =	swait.ge [sflag:s4], $0x0  }
0x19: {  	s7 =	sld [smem:$0x3F92]  }
0x1a: {  	s8 =	sadd.s32 $0xFFFFE003, lr  }
0x1b: {  	s9 =	sadd.s32 $0xFFFFFEF7, lr;
	s5 =	simm.s32 $0xFFFFFFFF;
	p2 =	slt.u32 s8, $0xFFFFF086  }
0x1c: {  	p1 =	slt.u32 s9, $0xF7A;
	s5 =	simm.s32 @!p2 $0x0  }
0x1d: {  	s5 =	simm.s32 @p1 $0x1;
	p0 =	seq.s32 s7, s2  }
0x1e: {  	s7 =	smul.u32 @!p0 $0xF7A, s2;
	p2 =	seq.s32 @!p0 s5, $0x0  }
0x1f: {  	s9 =	smul.u32 $0xF7A, s1;
	s8 =	simm.s32 @!p0 $0x1BF5;
	p2 =	por !p2, p0  }
0x20: {  	[sflag:s8] =	ssyncset.s32 @!p0 $0xFFFFF086;
	s6 =	sadd.s32 @!p0 s3, s7;
	s7 =	simm.s32 @!p0 $0x108  }
0x21: {  	s3 =	sadd.s32 s3, s9;
	s6 =	sadd.s32 @!p0 $0x88, s6;
	s7 =	simm.s32 @p2 $0x1082  }
0x22: {  	[simem:s7], [sflag:s8] =	dma.local @!p0 [hbm:s6], $0xF7A  }
0x23: {  	s9 =	sor.u32 $0xD0000000, s2;
	s6 =	simm.s32 $0x108;
	_ =	swait.ge @!p0 [sflag:s8], $0x0  }
0x24: {  	s3 =	sadd.s32 $0x88, s3;
	s6 =	simm.s32 @!p1 $0x1082;
	[sflag:s4] =	ssyncset.s32 $0xFFFFF086  }
0x25: {  	[simem:s6], [sflag:s4] =	dma.local [hbm:s3], $0xF7A  }
0x26: {  	[smem:$0x3F92] =	sst s1;
	(tag) =	ssettag s2;
	_ =	strace s9  }
0x27: {  	s1 =	sld [smem:$0x3FA2]  }
0x28: {  	s2 =	sld [smem:$0x3FA3]  }
0x29: {  	s4 =	sld [smem:$0x3FA5]  }
0x2a: {  	p0 =	seq.s32 s5, $0x0;
	s5 =	sld [smem:$0x3FA6]  }
0x2b: {  	s6 =	sld [smem:$0x3FA7]  }
0x2c: {  	s7 =	sld [smem:$0x3FA8]  }
0x2d: {  	s3 =	simm.s32 $0x108;
	s8 =	sld [smem:$0x3FA9]  }
0x2e: {  	s3 =	simm.s32 @!p0 $0x1082;
	s9 =	sld [smem:$0x3FAA]  }
0x2f: {  	lr =	sadd.s32 s0, s3;
	s0 =	sld [smem:$0x3FA1]  }
0x30: {  	s3 =	sld [smem:$0x3FA4]  }
0x31: {  	[smem:$0x3FAD] =	sst s10  }
0x32: {  	s10 =	sld [smem:$0x3FAB];
	_ =	sdelay $0x3  }
0x33: {  	p0 =	seq.s32 s10, $0x1;
	s10 =	sld [smem:$0x3FAD];
	_ =	sdelay $0x3  }
0x34: {  	[smem:$0x3FAD] =	sst s10  }
0x35: {  	s10 =	sld [smem:$0x3FAC];
	_ =	sdelay $0x3  }
0x36: {  	p1 =	seq.s32 s10, $0x1;
	s10 =	sld [smem:$0x3FAD];
	_ =	sdelay $0x3  }
0x37: {  	[smem:$0x3FAD] =	sst s10  }
0x38: {  	s10 =	sld [smem:$0x3FAE]  }
0x39: {  	_ = 	snop;
	(pc) =	sbr.ind lr, $3  }
0x3a: {  	_ = 	snop  }
0x3b: {  	_ = 	snop  }
0x3c: {  	p2 =	seq.s32 s10, $0x1;
	s10 =	sld [smem:$0x3FAD]  }
0x3d: {  	_ =	shalt  }
0x3e: {  	_ =	shalt  }
0x3f: {  	_ =	shalt  }
0x40: {  	_ =	shalt  }
0x41: {  	_ =	shalt  }
0x42: {  	_ =	shalt  }
0x43: {  	_ =	shalt  }
0x44: {  	_ =	shalt  }
0x45: {  	_ =	shalt  }
0x46: {  	_ =	shalt  }
0x47: {  	_ =	shalt  }
0x48: {  	_ =	shalt  }
0x49: {  	_ =	shalt  }
0x4a: {  	_ =	shalt  }
0x4b: {  	_ =	shalt  }
0x4c: {  	_ =	shalt  }
0x4d: {  	_ =	shalt  }
0x4e: {  	_ =	shalt  }
0x4f: {  	_ =	shalt  }
0x50: {  	_ =	shalt  }
0x51: {  	_ =	shalt  }
0x52: {  	_ =	shalt  }
0x53: {  	_ =	shalt  }
0x54: {  	_ =	shalt  }
0x55: {  	_ =	shalt  }
0x56: {  	_ =	shalt  }
0x57: {  	_ =	shalt  }
0x58: {  	_ =	shalt  }
0x59: {  	_ =	shalt  }
0x5a: {  	_ =	shalt  }
0x5b: {  	_ =	shalt  }
0x5c: {  	_ =	shalt  }
0x5d: {  	_ =	shalt  }
0x5e: {  	_ =	shalt  }
0x5f: {  	_ =	shalt  }
0x60: {  	_ =	shalt  }
0x61: {  	_ =	shalt  }
0x62: {  	_ =	shalt  }
0x63: {  	_ =	shalt  }
0x64: {  	_ =	shalt  }
0x65: {  	_ =	shalt  }
0x66: {  	_ =	shalt  }
0x67: {  	_ =	shalt  }
0x68: {  	_ =	shalt  }
0x69: {  	_ =	shalt  }
0x6a: {  	_ =	shalt  }
0x6b: {  	_ =	shalt  }
0x6c: {  	_ =	shalt  }
0x6d: {  	_ =	shalt  }
0x6e: {  	_ =	shalt  }
0x6f: {  	_ =	shalt  }
0x70: {  	_ =	shalt  }
0x71: {  	_ =	shalt  }
0x72: {  	_ =	shalt  }
0x73: {  	_ =	shalt  }
0x74: {  	_ =	shalt  }
0x75: {  	_ =	shalt  }
0x76: {  	_ =	shalt  }
0x77: {  	_ =	shalt  }
0x78: {  	_ =	shalt  }
0x79: {  	_ =	shalt  }
0x7a: {  	_ =	shalt  }
0x7b: {  	_ =	shalt  }
0x7c: {  	_ =	shalt  }
0x7d: {  	_ =	shalt  }
0x7e: {  	_ =	shalt  }
0x7f: {  	_ =	shalt  }
0x80: {  	_ =	shalt  }
0x81: {  	_ =	shalt  }
0x82: {  	_ =	shalt  }
0x83: {  	_ =	shalt  }
0x84: {  	_ =	shalt  }
0x85: {  	_ =	shalt  }
0x86: {  	_ =	shalt  }
0x87: {  	_ =	shalt  }
.Lfunc_end0:
.L_simem_size_0:
called_computation.3_lowered:
.L_overlay_start_0:
0x88: {  	s2 =	sld [smem:$0x3FD9]  }
0x89: {  	s3 =	sld [smem:$0x3FFE];
	_ =	sdelay $0x1  }
0x8a: {  	s1 =	srdreg.scid  }
0x8b: {  	s0 =	sand.u32 $0x1, s1  }
0x8c: {  	s16 =	sshll.u32 s0, $0xA;
	s2 =	sadd.s32 s3, s2  }
0x8d: {  	s2 =	sadd.s32 s2, s16  }
0x8e: {  	[smem:$0x3FB9] =	sst s2  }
0x8f: {  	_ = 	snop  }
0x90: {  	(tm) =	ssettm $0x1  }
0x91: {  	s17 =	sld [smem:$0x3FFB];
	_ =	sdelay $0x3  }
0x92: {  	_ =	strace s17  }
0x93: {  	s2 =	sld [smem:$0x3FFC];
	_ =	sdelay $0x3  }
0x94: {  	_ =	strace s2  }
0x95: {  	s2 =	sld [smem:$0x3FFD];
	_ =	sdelay $0x3  }
0x96: {  	_ =	strace s2  }
0x97: {  	_ =	strace $0x8FFFFFFF  }
0x98: {  	s18 =	sld [smem:$0x3FDB];
	_ =	sdelay $0x1  }
0x99: {  	s19 =	simm.s32 $_scs_section_size  }
0x9a: {  	s4 =	simm.s32 $_size__tile_overlayer_lowered;
	s5 =	simm.s32 $_tile_overlayer_lowered  }
0x9b: {  	s22 =	simm.s32 $0x1BFF;
	s21 =	sshll.u32 s5, $0x1;
	s2 =	sadd.s32 s19, s18  }
0x9c: {  	s6 =	simm.s32 $0x0;
	s20 =	sshll.u32 s4, $0x1;
	s4 =	sadd.s32 s21, s2  }
0x9d: {  	[timem:s6], [sflag:s22] =	dma.local [hbm:s4], s20  }
0x9e: {  	_ =	swait.ge [sflag:s22], s20  }
0x9f: {  	s3 =	ssub.s32 $0x0, s20;
	[sflag:s22] =	ssyncset.done $0x0  }
0xa0: {  	[sflag:s22] =	ssyncadd.s32 s3;
	_ =	sdelay $0x1  }
0xa1: {  	s23 =	simm.s32 $0x1B8B  }
0xa2: {  	_ =	swait.ge [sflag:s23], $0x1  }
0xa3: {  	[sflag:s23] =	ssyncset.done $0x0  }
0xa4: {  	s25 =	simm.s32 $0x1B8E;
	s24 =	sld [smem:$0x3FFE];
	[sflag:s23] =	ssyncadd.s32 $0xFFFFFFFF  }
0xa5: {  	s26 =	simm.s32 $execute0_lowered;
	[smem:$0x3FD2] =	sst s25  }
0xa6: {  	s4 =	sshll.u32 s26, $0x1;
	_ =	strace $0x8000004F;
	[dreg:$0x1] =	wrdreg $0xFFFFFFFF  }
0xa7: {  	s28 =	simm.s32 $_size_execute0_lowered;
	s2 =	sadd.s32 s2, s4;
	[dreg:$0x0] =	wrdreg $0x0  }
0xa8: {  	s4 =	sshll.u32 s28, $0x1;
	[dreg:$0x2] =	wrdreg s2  }
0xa9: {  	[dreg:$0x3] =	wrdreg s4  }
0xaa: {  	[dreg:$0x4] =	wrdreg $0xC0  }
0xab: {  	_ =	task [dreg:s6], $0x5FFFF  }
0xac: {  	[dreg:$0x1] =	wrdreg $0xFFFFFFFF  }
0xad: {  	[dreg:$0x0] =	wrdreg $0x60  }
0xae: {  	[dreg:$0x2] =	wrdreg s24  }
0xaf: {  	[dreg:$0x3] =	wrdreg $0x0  }
0xb0: {  	[dreg:$0x4] =	wrdreg $0x9  }
0xb1: {  	_ =	task.clear_ibuf [dreg:s6], $0x5FFFF;
	_ =	strace $0x9000004F  }
0xb2: {  	s29 =	simm.s32 $0x9;
	_ =	strace $0x80000051  }
0xb3: {  	_ =	swait.ge [sflag:s29], $0x1  }
0xb4: {  	[sflag:s29] =	ssyncadd.s32 $0xFFFFFFFF  }
0xb5: {  	_ =	strace $0x90000051  }
0xb6: {  	_ =	sfence  }
0xb7: {  	s30 =	sld [smem:$0x0];
	_ =	sdelay $0x2  }
0xb8: {  	s31 =	sshll.u32 s1, $0xD;
	s1 =	sshrl.u32 s1, $0x2  }
0xb9: {  	s3 =	sand.u32 $0x4000, s31;
	s1 =	sadd.s32 s1, s30  }
0xba: {  	s0 =	sor.u32 s3, s0;
	s1 =	sshll.u32 s1, $0x11  }
0xbb: {  	s0 =	sor.u32 s1, s0  }
0xbc: {  	s0 =	sadd.s32 $0x8F2B, s0  }
0xbd: {  	[sflag:s0] =	ssyncadd.remote.s32 $0x1  }
0xbe: {  	_ =	sfence.sel $0xFFFF  }
0xbf: {  	[dreg:$0x0] =	wrdreg $0xFFFFFFFF;
	(pc) =	sbr.abs _section_cstart, $3  }
0xc0: {  	[dreg:$0x1] =	wrdreg $0xFFFFFFFF  }
0xc1: {  	_ =	task.clear_ibuf [dreg:s6], $0x2FFFF;
	_ =	strace $0x9FFFFFFF  }
0xc2: {  	(tm) =	ssettm $0x7FFFFFFF  }
0xc3: {  	_ =	shalt  }
tec
execute0_lowered:
.L_overlay_start_1:
0x0: {  	(tag) =	ssettag $0x1  }
0x1: {  	s5 =	rddreg [dreg:$0x0]  }
0x2: {  	s2 =	rddreg [dreg:$0x1]  }
0x3: {  	s0 =	rddreg [dreg:$0x2]  }
0x4: {  	s1 =	stileid.u32;
	s4 =	srdreg.scid  }
0x5: {  	s3 =	simm.s32 $0x0;
	s14 =	simm.s32 $0x13D00;
	s15 =	simm.s32 $0x1  }
0x6: {  	s16 =	simm.s32 $0x13C80;
	s17 =	simm.s32 $0x0;
	s6 =	smul.u32 $0x13C00, s1  }
0x7: {  	s7 =	sand.u32 $0x1, s4;
	[smem:$0x7FF] =	sst s3;
	s8 =	sshll.u32 s1, $0x6  }
0x8: {  	s4 =	sadd.s32 $0x3800, s5;
	s9 =	smul.u32 $0x13C000, s7;
	_ =	strace $0x80000050  }
0x9: {  	s10 =	sadd.s32 s8, s5;
	s12 =	ssub.s32 $0x2, s7;
	s30 =	sshll.u32 s7, $0x5  }
0xa: {  	s11 =	sshrl.u32 s6, $0x3;
	s13 =	sshrl.u32 s12, $0x1;
	s29 =	sadd.s32 s6, s2  }
0xb: {  	s31 =	sadd.s32 s30, s10;
	s9 =	sadd.s32 s6, s9;
	s11 =	sadd.s32 s11, s5  }
0xc: {  	s12 =	ssub.s32 s12, s13;
	s6 =	sor.u32 $0x1C02, s8;
	s10 =	sshrl.u32 s29, $0x3  }
0xd: {  	s13 =	simm.s32 $0x80;
	s9 =	sshrl.u32 s9, $0x3;
	s8 =	smax.u32 s12, $0x1  }
0xe: {  	s12 =	simm.s32 $0x13C00;
	s9 =	sadd.s32 s9, s5;
	s5 =	sadd.s32 $0x13F800, s11  }
0xf: {  	s11 =	simm.s32 $0x2;
	s7 =	sadd.s32 $0x2AA00, s9;
	s9 =	sadd.s32 $0x645200, s31  }
.LBB2_1:
0x10: {  	[spmem:s10], [sflag:s6] =	dma.local [hbm:s5], $0x2780  }
0x11: {  	_ =	swait.ge [sflag:s11], $0x2780  }
0x12: {  	[sflag:s11] =	ssyncset.done $0x0  }
0x13: {  	[sflag:s11] =	ssyncadd.s32 $0xFFFFD880  }
0x14: {  	s18 =	sadd.s32 $0x0, s9;
	[bflag:$0x0] =	sbarrier.arrive $0xFFFF  }
0x15: {  	[tilespmem:s12], [sflag:$0x2] =	stream.linear.gather [hbm4b:s18+s3], $0x100, $0x38;
	[tilespmem:$0x17D00] =	vst v63  }
0x16: {  	_ =	swait.ge [sflag:s11], $0x100  }
0x17: {  	[sflag:s11] =	ssyncset.done $0x0  }
0x18: {  	[sflag:s11] =	ssyncadd.s32 $0xFFFFFF00  }
0x19: {  	[tilespmem:s14], [sflag:$0x1] =	stream.indirect.gather [hbm4b:s4+s13], $0x80, s12, s13, $0xb8;
	[tilespmem:$0x17D00] =	vst v63  }
0x1a: {  	_ =	swait.ge [sflag:s15], $0x4000  }
0x1b: {  	[sflag:s15] =	ssyncset.done $0x0  }
0x1c: {  	[sflag:s15] =	ssyncadd.s32 $0xFFFFC000  }
0x1d: {  	[spmem:s2] =	stream.indirect.scatter.add.f32 [tilespmem:s14], [sflag:$0x2], $0x80, s16, s13, $0xb8;
	[tilespmem:$0x17D00] =	vst v63  }
0x1e: {  	_ =	swait.ge [sflag:s11], $0x4000  }
0x1f: {  	s19 =	simm.s32 $0x800;
	s18 =	simm.s32 $0x400;
	[sflag:s11] =	ssyncset.done $0x0  }
.LBB2_2:
0x20: {  	s20 =	sadd.s32 s18, s9  }
0x21: {  	[sflag:s11] =	ssyncadd.s32 $0xFFFFC000;
	s18 =	smov.u32 s19;
	s21 =	sadd.s32 $0x400, s19  }
0x22: {  	[tilespmem:s12], [sflag:$0x2] =	stream.linear.gather [hbm4b:s20+s3], $0x100, $0x38;
	[tilespmem:$0x17D00] =	vst v63  }
0x23: {  	p0 =	sne.s32 s19, $0x13800;
	_ =	swait.ge [sflag:s11], $0x100  }
0x24: {  	[sflag:s11] =	ssyncset.done $0x0  }
0x25: {  	[sflag:s11] =	ssyncadd.s32 $0xFFFFFF00  }
0x26: {  	[tilespmem:s14], [sflag:$0x1] =	stream.indirect.gather [hbm4b:s4+s13], $0x80, s12, s13, $0xb8;
	[tilespmem:$0x17D00] =	vst v63  }
0x27: {  	_ =	swait.ge [sflag:s15], $0x4000  }
.Ltmp0:
0x28: {  	[sflag:s15] =	ssyncset.done $0x0;
	(pc) =	sbr.rel @p0 .LBB2_2-.Ltmp0, $4  }
0x29: {  	[sflag:s15] =	ssyncadd.s32 $0xFFFFC000  }
0x2a: {  	[spmem:s2] =	stream.indirect.scatter.add.f32 [tilespmem:s14], [sflag:$0x2], $0x80, s16, s13, $0xb8;
	[tilespmem:$0x17D00] =	vst v63  }
0x2b: {  	_ =	swait.ge [sflag:s11], $0x4000  }
0x2c: {  	s19 =	smov.u32 s21;
	[sflag:s11] =	ssyncset.done $0x0  }
0x2d: {  	s18 =	sadd.s32 s18, s9;
	[sflag:s11] =	ssyncadd.s32 $0xFFFFC000  }
0x2e: {  	[tilespmem:s12], [sflag:$0x2] =	stream.linear.gather [hbm4b:s18+s3], $0x100, $0x38;
	[tilespmem:$0x17D00] =	vst v63  }
0x2f: {  	_ =	swait.ge [sflag:s11], $0x100  }
0x30: {  	[sflag:s11] =	ssyncset.done $0x0  }
0x31: {  	[sflag:s11] =	ssyncadd.s32 $0xFFFFFF00  }
0x32: {  	[tilespmem:s14], [sflag:$0x1] =	stream.indirect.gather [hbm4b:s4+s13], $0x80, s12, s13, $0xb8;
	[tilespmem:$0x17D00] =	vst v63  }
0x33: {  	_ =	swait.ge [sflag:s15], $0x4000  }
0x34: {  	[sflag:s15] =	ssyncset.done $0x0  }
0x35: {  	[sflag:s15] =	ssyncadd.s32 $0xFFFFC000  }
0x36: {  	[spmem:s2] =	stream.indirect.scatter.add.f32 [tilespmem:s14], [sflag:$0x2], $0x80, s16, s13, $0xb8;
	[tilespmem:$0x17D00] =	vst v63  }
0x37: {  	_ =	swait.ge [sflag:s11], $0x4000  }
0x38: {  	s17 =	sadd.s32 $0x1, s17;
	[sflag:s11] =	ssyncset.done $0x0  }
0x39: {  	p0 =	sne.s32 s17, s8;
	[sflag:s11] =	ssyncadd.s32 $0xFFFFC000  }
.Ltmp1:
0x3a: {  	[bflag:$0x0] =	sbarrier.arrive $0xFFFF;
	(pc) =	sbr.rel @p0 .LBB2_1-.Ltmp1, $4  }
0x3b: {  	[hbm:s7], [sflag:s6] =	dma.local [spmem:s10], $0x2780  }
0x3c: {  	_ =	swait.ge [sflag:s11], $0x2780  }
0x3d: {  	[sflag:s11] =	ssyncset.done $0x0  }
0x3e: {  	[sflag:s11] =	ssyncadd.s32 $0xFFFFD880  }
0x3f: {  	_ =	sfence.sel $0x180000  }
0x40: {  	[bflag:$0x0] =	sbarrier.arrive $0xFFFF  }
0x41: {  	p0 =	sne.s32 s1, $0x0;
	_ =	strace $0x90000050  }
0x42: {  	s0 =	sadd.s32 @!p0 $0x100000, s0;
	[bflag:$0x2] =	sbarrier.arrive $0xFFFF  }
0x43: {  	[sflag:s0] =	ssyncadd.tile.s32 @!p0 $0x1;
	_ =	shalt  }
.Lfunc_end2:
_tile_overlayer_lowered:
.L_overlay_start_2:
0x44: {  	(tag) =	ssettag $0x2  }
0x45: {  	s0 =	rddreg [dreg:$0x0];
	s2 =	stileid.u32  }
0x46: {  	s1 =	rddreg [dreg:$0x1];
	p0 =	sne.s32 s2, $0x0  }
0x47: {  	s3 =	rddreg [dreg:$0x2];
	[bflag:$0x3] =	sbarrier.arrive $0xFFFF;
	s2 =	simm.s32 @!p0 $0x1C02  }
0x48: {  	[timem:s3], [sflag:s2] =	dma.local @!p0 [hbm:s0], s1  }
0x49: {  	s0 =	simm.s32 @!p0 $0x2  }
0x4a: {  	_ =	swait.ge @!p0 [sflag:s0], s1  }
0x4b: {  	s1 =	ssub.s32 @!p0 $0x0, s1;
	[sflag:s0] =	ssyncset.done @!p0 $0x0  }
0x4c: {  	[sflag:s0] =	ssyncadd.s32 @!p0 s1  }
0x4d: {  	[bflag:$0x3] =	sbarrier.arrive $0xFFFF  }
0x4e: {  	_ =	shalt  }

// kernel: kernel.9.cloned.1.call-start
scs
__scs_entry_jumppad:
0x0: {  	(pc) =	sbr.rel $0x88, $3  }
0x1: {  	(tag) =	ssettag $0x0;
	lr =	simm.s32 $0x1  }
0x2: {  	[smem:$0x3F92] =	sst lr;
	_ =	strace $0xD0000000  }
0x3: {  	_ = 	snop  }
0x4: {  	_ = 	snop  }
0x5: {  	_ = 	snop  }
0x6: {  	_ = 	snop  }
0x7: {  	_ = 	snop  }
__scs_overlays_trampoline_lowered:
0x8: {  	[smem:$0x3FA1] =	sst s0  }
0x9: {  	[smem:$0x3FA2] =	sst s1  }
0xa: {  	[smem:$0x3FA3] =	sst s2  }
0xb: {  	[smem:$0x3FA4] =	sst s3  }
0xc: {  	[smem:$0x3FA5] =	sst s4  }
0xd: {  	[smem:$0x3FA6] =	sst s5  }
0xe: {  	[smem:$0x3FA7] =	sst s6  }
0xf: {  	[smem:$0x3FA8] =	sst s7  }
0x10: {  	[smem:$0x3FA9] =	sst s8  }
0x11: {  	[smem:$0x3FAA] =	sst s9;
	s0 =	simm.s32 @!p0 $0x0  }
0x12: {  	s1 =	sld [smem:$0x3F90];
	s0 =	simm.s32 @p0 $0x1  }
0x13: {  	[smem:$0x3FAB] =	sst s0;
	s0 =	simm.s32 @!p1 $0x0  }
0x14: {  	s2 =	sld [smem:$0x3F8F];
	s0 =	simm.s32 @p1 $0x1  }
0x15: {  	[smem:$0x3FAC] =	sst s0;
	s0 =	simm.s32 @!p2 $0x0  }
0x16: {  	s3 =	sld [smem:$0x3FDB];
	s0 =	simm.s32 @p2 $0x1  }
0x17: {  	s4 =	simm.s32 $0x1BF5;
	[smem:$0x3FAE] =	sst s0  }
0x18: {  	s0 =	sld [smem:$0x3F91];
	_ =	swait.ge [sflag:s4], $0x0  }
0x19: {  	s7 =	sld [smem:$0x3F92]  }
0x1a: {  	s8 =	sadd.s32 $0xFFFFE003, lr  }
0x1b: {  	s9 =	sadd.s32 $0xFFFFFEF7, lr;
	s5 =	simm.s32 $0xFFFFFFFF;
	p2 =	slt.u32 s8, $0xFFFFF086  }
0x1c: {  	p1 =	slt.u32 s9, $0xF7A;
	s5 =	simm.s32 @!p2 $0x0  }
0x1d: {  	s5 =	simm.s32 @p1 $0x1;
	p0 =	seq.s32 s7, s2  }
0x1e: {  	s7 =	smul.u32 @!p0 $0xF7A, s2;
	p2 =	seq.s32 @!p0 s5, $0x0  }
0x1f: {  	s9 =	smul.u32 $0xF7A, s1;
	s8 =	simm.s32 @!p0 $0x1BF5;
	p2 =	por !p2, p0  }
0x20: {  	[sflag:s8] =	ssyncset.s32 @!p0 $0xFFFFF086;
	s6 =	sadd.s32 @!p0 s3, s7;
	s7 =	simm.s32 @!p0 $0x108  }
0x21: {  	s3 =	sadd.s32 s3, s9;
	s6 =	sadd.s32 @!p0 $0x88, s6;
	s7 =	simm.s32 @p2 $0x1082  }
0x22: {  	[simem:s7], [sflag:s8] =	dma.local @!p0 [hbm:s6], $0xF7A  }
0x23: {  	s9 =	sor.u32 $0xD0000000, s2;
	s6 =	simm.s32 $0x108;
	_ =	swait.ge @!p0 [sflag:s8], $0x0  }
0x24: {  	s3 =	sadd.s32 $0x88, s3;
	s6 =	simm.s32 @!p1 $0x1082;
	[sflag:s4] =	ssyncset.s32 $0xFFFFF086  }
0x25: {  	[simem:s6], [sflag:s4] =	dma.local [hbm:s3], $0xF7A  }
0x26: {  	[smem:$0x3F92] =	sst s1;
	(tag) =	ssettag s2;
	_ =	strace s9  }
0x27: {  	s1 =	sld [smem:$0x3FA2]  }
0x28: {  	s2 =	sld [smem:$0x3FA3]  }
0x29: {  	s4 =	sld [smem:$0x3FA5]  }
0x2a: {  	p0 =	seq.s32 s5, $0x0;
	s5 =	sld [smem:$0x3FA6]  }
0x2b: {  	s6 =	sld [smem:$0x3FA7]  }
0x2c: {  	s7 =	sld [smem:$0x3FA8]  }
0x2d: {  	s3 =	simm.s32 $0x108;
	s8 =	sld [smem:$0x3FA9]  }
0x2e: {  	s3 =	simm.s32 @!p0 $0x1082;
	s9 =	sld [smem:$0x3FAA]  }
0x2f: {  	lr =	sadd.s32 s0, s3;
	s0 =	sld [smem:$0x3FA1]  }
0x30: {  	s3 =	sld [smem:$0x3FA4]  }
0x31: {  	[smem:$0x3FAD] =	sst s10  }
0x32: {  	s10 =	sld [smem:$0x3FAB];
	_ =	sdelay $0x3  }
0x33: {  	p0 =	seq.s32 s10, $0x1;
	s10 =	sld [smem:$0x3FAD];
	_ =	sdelay $0x3  }
0x34: {  	[smem:$0x3FAD] =	sst s10  }
0x35: {  	s10 =	sld [smem:$0x3FAC];
	_ =	sdelay $0x3  }
0x36: {  	p1 =	seq.s32 s10, $0x1;
	s10 =	sld [smem:$0x3FAD];
	_ =	sdelay $0x3  }
0x37: {  	[smem:$0x3FAD] =	sst s10  }
0x38: {  	s10 =	sld [smem:$0x3FAE]  }
0x39: {  	_ = 	snop;
	(pc) =	sbr.ind lr, $3  }
0x3a: {  	_ = 	snop  }
0x3b: {  	_ = 	snop  }
0x3c: {  	p2 =	seq.s32 s10, $0x1;
	s10 =	sld [smem:$0x3FAD]  }
0x3d: {  	_ =	shalt  }
0x3e: {  	_ =	shalt  }
0x3f: {  	_ =	shalt  }
0x40: {  	_ =	shalt  }
0x41: {  	_ =	shalt  }
0x42: {  	_ =	shalt  }
0x43: {  	_ =	shalt  }
0x44: {  	_ =	shalt  }
0x45: {  	_ =	shalt  }
0x46: {  	_ =	shalt  }
0x47: {  	_ =	shalt  }
0x48: {  	_ =	shalt  }
0x49: {  	_ =	shalt  }
0x4a: {  	_ =	shalt  }
0x4b: {  	_ =	shalt  }
0x4c: {  	_ =	shalt  }
0x4d: {  	_ =	shalt  }
0x4e: {  	_ =	shalt  }
0x4f: {  	_ =	shalt  }
0x50: {  	_ =	shalt  }
0x51: {  	_ =	shalt  }
0x52: {  	_ =	shalt  }
0x53: {  	_ =	shalt  }
0x54: {  	_ =	shalt  }
0x55: {  	_ =	shalt  }
0x56: {  	_ =	shalt  }
0x57: {  	_ =	shalt  }
0x58: {  	_ =	shalt  }
0x59: {  	_ =	shalt  }
0x5a: {  	_ =	shalt  }
0x5b: {  	_ =	shalt  }
0x5c: {  	_ =	shalt  }
0x5d: {  	_ =	shalt  }
0x5e: {  	_ =	shalt  }
0x5f: {  	_ =	shalt  }
0x60: {  	_ =	shalt  }
0x61: {  	_ =	shalt  }
0x62: {  	_ =	shalt  }
0x63: {  	_ =	shalt  }
0x64: {  	_ =	shalt  }
0x65: {  	_ =	shalt  }
0x66: {  	_ =	shalt  }
0x67: {  	_ =	shalt  }
0x68: {  	_ =	shalt  }
0x69: {  	_ =	shalt  }
0x6a: {  	_ =	shalt  }
0x6b: {  	_ =	shalt  }
0x6c: {  	_ =	shalt  }
0x6d: {  	_ =	shalt  }
0x6e: {  	_ =	shalt  }
0x6f: {  	_ =	shalt  }
0x70: {  	_ =	shalt  }
0x71: {  	_ =	shalt  }
0x72: {  	_ =	shalt  }
0x73: {  	_ =	shalt  }
0x74: {  	_ =	shalt  }
0x75: {  	_ =	shalt  }
0x76: {  	_ =	shalt  }
0x77: {  	_ =	shalt  }
0x78: {  	_ =	shalt  }
0x79: {  	_ =	shalt  }
0x7a: {  	_ =	shalt  }
0x7b: {  	_ =	shalt  }
0x7c: {  	_ =	shalt  }
0x7d: {  	_ =	shalt  }
0x7e: {  	_ =	shalt  }
0x7f: {  	_ =	shalt  }
0x80: {  	_ =	shalt  }
0x81: {  	_ =	shalt  }
0x82: {  	_ =	shalt  }
0x83: {  	_ =	shalt  }
0x84: {  	_ =	shalt  }
0x85: {  	_ =	shalt  }
0x86: {  	_ =	shalt  }
0x87: {  	_ =	shalt  }
.Lfunc_end0:
.L_simem_size_0:
called_computation.1_lowered:
.L_overlay_start_0:
0x88: {  	s2 =	sld [smem:$0x3FD9]  }
0x89: {  	s3 =	sld [smem:$0x3FFE];
	_ =	sdelay $0x1  }
0x8a: {  	s1 =	srdreg.scid  }
0x8b: {  	s0 =	sand.u32 $0x1, s1  }
0x8c: {  	s17 =	sshll.u32 s0, $0xA;
	s2 =	sadd.s32 s3, s2  }
0x8d: {  	s2 =	sadd.s32 s2, s17  }
0x8e: {  	[smem:$0x3FB9] =	sst s2  }
0x8f: {  	_ = 	snop  }
0x90: {  	s2 =	sld [smem:$0x3FD0];
	(tm) =	ssettm $0x1  }
0x91: {  	s18 =	sld [smem:$0x3FFB];
	_ =	sdelay $0x3  }
0x92: {  	_ =	strace s18  }
0x93: {  	s3 =	sld [smem:$0x3FFC];
	_ =	sdelay $0x3  }
0x94: {  	_ =	strace s3  }
0x95: {  	s3 =	sld [smem:$0x3FFD];
	_ =	sdelay $0x3  }
0x96: {  	_ =	strace s3  }
0x97: {  	_ =	strace $0x8FFFFFFF  }
0x98: {  	s19 =	sld [smem:$0x3FDB];
	_ =	sdelay $0x1  }
0x99: {  	s4 =	simm.s32 $_scs_section_size  }
0x9a: {  	s5 =	simm.s32 $_size__tile_overlayer_lowered;
	s6 =	simm.s32 $_tile_overlayer_lowered  }
0x9b: {  	s22 =	simm.s32 $0x1BFF;
	s21 =	sshll.u32 s6, $0x1;
	s3 =	sadd.s32 s4, s19  }
0x9c: {  	s7 =	simm.s32 $0x0;
	s20 =	sshll.u32 s5, $0x1;
	s5 =	sadd.s32 s21, s3  }
0x9d: {  	[timem:s7], [sflag:s22] =	dma.local [hbm:s5], s20  }
0x9e: {  	_ =	swait.ge [sflag:s22], s20  }
0x9f: {  	s4 =	ssub.s32 $0x0, s20;
	[sflag:s22] =	ssyncset.done $0x0  }
0xa0: {  	[sflag:s22] =	ssyncadd.s32 s4;
	_ =	sdelay $0x1  }
0xa1: {  	s23 =	simm.s32 $0x1B8B  }
0xa2: {  	_ =	swait.ge [sflag:s23], $0x1  }
0xa3: {  	[sflag:s23] =	ssyncset.done $0x0  }
0xa4: {  	s25 =	simm.s32 $0x1B8E;
	s24 =	sld [smem:$0x3FFE];
	[sflag:s23] =	ssyncadd.s32 $0xFFFFFFFF  }
0xa5: {  	s26 =	simm.s32 $execute0_lowered;
	[smem:$0x3FD2] =	sst s25  }
0xa6: {  	s5 =	sshll.u32 s26, $0x1;
	_ =	strace $0x80000049;
	[dreg:$0x1] =	wrdreg $0xFFFFFFFF  }
0xa7: {  	s28 =	simm.s32 $_size_execute0_lowered;
	s3 =	sadd.s32 s3, s5;
	[dreg:$0x0] =	wrdreg $0x0  }
0xa8: {  	s5 =	sshll.u32 s28, $0x1;
	[dreg:$0x2] =	wrdreg s3  }
0xa9: {  	[dreg:$0x3] =	wrdreg s5  }
0xaa: {  	[dreg:$0x4] =	wrdreg $0xC0  }
0xab: {  	_ =	task [dreg:s7], $0x5FFFF  }
0xac: {  	[dreg:$0x1] =	wrdreg $0xFFFFFFFF  }
0xad: {  	[dreg:$0x0] =	wrdreg $0x60  }
0xae: {  	[dreg:$0x2] =	wrdreg s24  }
0xaf: {  	[dreg:$0x3] =	wrdreg s2  }
0xb0: {  	[dreg:$0x4] =	wrdreg $0x0  }
0xb1: {  	[dreg:$0x5] =	wrdreg $0x13C000  }
0xb2: {  	[dreg:$0x6] =	wrdreg $0x9  }
0xb3: {  	_ =	task.clear_ibuf [dreg:s7], $0x7FFFF;
	_ =	strace $0x90000049  }
0xb4: {  	s29 =	simm.s32 $0x9;
	_ =	strace $0x8000004B  }
0xb5: {  	_ =	swait.ge [sflag:s29], $0x1  }
0xb6: {  	[sflag:s29] =	ssyncadd.s32 $0xFFFFFFFF  }
0xb7: {  	_ =	strace $0x9000004B  }
0xb8: {  	_ =	sfence  }
0xb9: {  	s30 =	sld [smem:$0x0];
	_ =	sdelay $0x2  }
0xba: {  	s31 =	sshll.u32 s1, $0xD;
	s1 =	sshrl.u32 s1, $0x2  }
0xbb: {  	s3 =	sand.u32 $0x4000, s31;
	s1 =	sadd.s32 s1, s30  }
0xbc: {  	s0 =	sor.u32 s3, s0;
	s1 =	sshll.u32 s1, $0x11  }
0xbd: {  	s0 =	sor.u32 s1, s0  }
0xbe: {  	s0 =	sadd.s32 $0x8F2B, s0  }
0xbf: {  	[sflag:s0] =	ssyncadd.remote.s32 $0x1  }
0xc0: {  	_ =	sfence.sel $0xFFFF  }
0xc1: {  	[dreg:$0x0] =	wrdreg $0xFFFFFFFF;
	(pc) =	sbr.abs _section_cstart, $3  }
0xc2: {  	[dreg:$0x1] =	wrdreg $0xFFFFFFFF  }
0xc3: {  	_ =	task.clear_ibuf [dreg:s7], $0x2FFFF;
	_ =	strace $0x9FFFFFFF  }
0xc4: {  	(tm) =	ssettm $0x7FFFFFFF  }
0xc5: {  	_ =	shalt  }
tec
execute0_lowered:
.L_overlay_start_1:
0x0: {  	(tag) =	ssettag $0x1  }
0x1: {  	s6 =	rddreg [dreg:$0x0]  }
0x2: {  	s8 =	rddreg [dreg:$0x1]  }
0x3: {  	s2 =	rddreg [dreg:$0x2]  }
0x4: {  	s3 =	rddreg [dreg:$0x3]  }
0x5: {  	s0 =	rddreg [dreg:$0x4]  }
0x6: {  	s4 =	simm.s32 $0x0;
	s1 =	stileid.u32;
	s5 =	srdreg.scid  }
0x7: {  	s20 =	simm.s32 $0x18C00;
	s21 =	simm.s32 $0x1;
	s22 =	simm.s32 $0x18B80  }
0x8: {  	s23 =	simm.s32 $0x0;
	[smem:$0x7FF] =	sst s4;
	s7 =	smul.u32 $0x13C00, s1  }
0x9: {  	s11 =	sand.u32 $0x1, s5;
	s9 =	sshll.u32 s1, $0x6;
	s25 =	sshll.u32 s1, $0xA  }
0xa: {  	s13 =	smul.u32 $0x4F00, s1;
	s5 =	sadd.s32 $0x61E000, s6;
	_ =	strace $0x8000004A  }
0xb: {  	s10 =	smul.u32 $0x13C000, s11;
	s12 =	sadd.s32 s9, s6;
	s14 =	sadd.s32 s25, s6  }
0xc: {  	s16 =	smul.u32 $0x4F000, s11;
	s17 =	ssub.s32 $0x2, s11;
	s29 =	sshll.u32 s11, $0x9  }
0xd: {  	s30 =	sshll.u32 s11, $0x5;
	s15 =	sshrl.u32 s7, $0x3;
	s18 =	sshrl.u32 s17, $0x1  }
0xe: {  	s26 =	sadd.s32 s7, s2;
	s28 =	sshrl.u32 s13, $0x3;
	s19 =	sadd.s32 s13, s3  }
0xf: {  	s31 =	sadd.s32 s30, s12;
	s15 =	sadd.s32 s15, s6;
	s10 =	sadd.s32 s7, s10  }
0x10: {  	s16 =	sadd.s32 s13, s16;
	s17 =	ssub.s32 s17, s18;
	s7 =	sor.u32 $0x1C02, s9  }
0x11: {  	s8 =	sadd.s32 s8, s28;
	s13 =	sadd.s32 s29, s14;
	s14 =	sshrl.u32 s26, $0x3  }
0x12: {  	s18 =	simm.s32 $0x1CC00;
	s10 =	sshrl.u32 s10, $0x3;
	s16 =	sshrl.u32 s16, $0x3  }
0x13: {  	s11 =	smax.u32 s17, $0x1;
	s12 =	sadd.s32 $0x3800, s13;
	s13 =	sadd.s32 $0x645200, s31  }
0x14: {  	s17 =	simm.s32 $0x18B00;
	s10 =	sadd.s32 s10, s6;
	s16 =	sadd.s32 s16, s6  }
0x15: {  	s6 =	sadd.s32 $0x13F800, s15;
	s15 =	simm.s32 $0x2;
	s9 =	sadd.s32 $0x17AC00, s10  }
0x16: {  	s10 =	sadd.s32 $0x167000, s16;
	s16 =	sshrl.u32 s19, $0x3;
	s19 =	simm.s32 $0x80  }
.LBB2_1:
0x17: {  	[spmem:s14], [sflag:s7] =	dma.local [hbm:s6], $0x2780  }
0x18: {  	_ =	swait.ge [sflag:s15], $0x2780  }
0x19: {  	[sflag:s15] =	ssyncset.done $0x0  }
0x1a: {  	[sflag:s15] =	ssyncadd.s32 $0xFFFFD880  }
0x1b: {  	[spmem:s16], [sflag:s7] =	dma.local [hbm:s8], $0x9E0  }
0x1c: {  	_ =	swait.ge [sflag:s15], $0x9E0  }
0x1d: {  	[sflag:s15] =	ssyncset.done $0x0  }
0x1e: {  	[sflag:s15] =	ssyncadd.s32 $0xFFFFF620  }
0x1f: {  	s24 =	sadd.s32 $0x0, s13;
	[bflag:$0x0] =	sbarrier.arrive $0xFFFF  }
0x20: {  	[tilespmem:s17], [sflag:$0x2] =	stream.linear.gather [hbm4b:s24+s4], $0x100, $0x38;
	[tilespmem:$0x1DC00] =	vst v63  }
0x21: {  	_ =	swait.ge [sflag:s15], $0x100  }
0x22: {  	[sflag:s15] =	ssyncset.done $0x0  }
0x23: {  	[sflag:s15] =	ssyncadd.s32 $0xFFFFFF00  }
0x24: {  	[tilespmem:s18], [sflag:$0x2] =	stream.linear.gather [hbm4b:s12+s4], $0x1000, $0x38;
	[tilespmem:$0x1DC00] =	vst v63  }
0x25: {  	_ =	swait.ge [sflag:s15], $0x1000  }
0x26: {  	[sflag:s15] =	ssyncset.done $0x0  }
0x27: {  	[sflag:s15] =	ssyncadd.s32 $0xFFFFF000  }
0x28: {  	[tilespmem:s20], [sflag:$0x1] =	stream.indirect.gather [hbm4b:s5+s19], $0x80, s17, s19, $0xb8;
	[tilespmem:$0x1DC00] =	vst v63  }
0x29: {  	_ =	swait.ge [sflag:s21], $0x4000  }
0x2a: {  	[sflag:s21] =	ssyncset.done $0x0  }
0x2b: {  	[sflag:s21] =	ssyncadd.s32 $0xFFFFC000  }
0x2c: {  	[spmem:s2] =	stream.indirect.scatter.add.f32 [tilespmem:s20], [sflag:$0x2], $0x80, s22, s19, $0xb8;
	[tilespmem:$0x1DC00] =	vst v63  }
0x2d: {  	_ =	swait.ge [sflag:s15], $0x4000  }
0x2e: {  	[sflag:s15] =	ssyncset.done $0x0  }
0x2f: {  	[sflag:s15] =	ssyncadd.s32 $0xFFFFC000  }
0x30: {  	[spmem:s3] =	stream.indirect.scatter.add.f32 [tilespmem:s18], [sflag:$0x2], $0x20, s22, s19, $0xb8;
	[tilespmem:$0x1DC00] =	vst v63  }
0x31: {  	s25 =	simm.s32 $0x400;
	_ =	swait.ge [sflag:s15], $0x1000  }
0x32: {  	s26 =	simm.s32 $0x800;
	s24 =	sadd.s32 $0x4000, s12;
	[sflag:s15] =	ssyncset.done $0x0  }
.LBB2_2:
0x33: {  	s28 =	sadd.s32 s25, s13  }
0x34: {  	[sflag:s15] =	ssyncadd.s32 $0xFFFFF000;
	s25 =	smov.u32 s26;
	s29 =	sadd.s32 $0x400, s26  }
0x35: {  	[tilespmem:s17], [sflag:$0x2] =	stream.linear.gather [hbm4b:s28+s4], $0x100, $0x38;
	[tilespmem:$0x1DC00] =	vst v63  }
0x36: {  	p0 =	sne.s32 s26, $0x13800;
	_ =	swait.ge [sflag:s15], $0x100  }
0x37: {  	[sflag:s15] =	ssyncset.done $0x0  }
0x38: {  	[sflag:s15] =	ssyncadd.s32 $0xFFFFFF00  }
0x39: {  	[tilespmem:s18], [sflag:$0x2] =	stream.linear.gather [hbm4b:s24+s4], $0x1000, $0x38;
	[tilespmem:$0x1DC00] =	vst v63  }
0x3a: {  	_ =	swait.ge [sflag:s15], $0x1000  }
0x3b: {  	[sflag:s15] =	ssyncset.done $0x0  }
0x3c: {  	[sflag:s15] =	ssyncadd.s32 $0xFFFFF000  }
0x3d: {  	[tilespmem:s20], [sflag:$0x1] =	stream.indirect.gather [hbm4b:s5+s19], $0x80, s17, s19, $0xb8;
	[tilespmem:$0x1DC00] =	vst v63  }
0x3e: {  	_ =	swait.ge [sflag:s21], $0x4000  }
0x3f: {  	[sflag:s21] =	ssyncset.done $0x0  }
0x40: {  	[sflag:s21] =	ssyncadd.s32 $0xFFFFC000  }
0x41: {  	[spmem:s2] =	stream.indirect.scatter.add.f32 [tilespmem:s20], [sflag:$0x2], $0x80, s22, s19, $0xb8;
	[tilespmem:$0x1DC00] =	vst v63  }
0x42: {  	_ =	swait.ge [sflag:s15], $0x4000  }
.Ltmp0:
0x43: {  	[sflag:s15] =	ssyncset.done $0x0;
	(pc) =	sbr.rel @p0 .LBB2_2-.Ltmp0, $4  }
0x44: {  	[sflag:s15] =	ssyncadd.s32 $0xFFFFC000  }
0x45: {  	[spmem:s3] =	stream.indirect.scatter.add.f32 [tilespmem:s18], [sflag:$0x2], $0x20, s22, s19, $0xb8;
	[tilespmem:$0x1DC00] =	vst v63  }
0x46: {  	_ =	swait.ge [sflag:s15], $0x1000  }
0x47: {  	s26 =	smov.u32 s29;
	s24 =	sadd.s32 $0x4000, s24;
	[sflag:s15] =	ssyncset.done $0x0  }
0x48: {  	s25 =	sadd.s32 s25, s13;
	[sflag:s15] =	ssyncadd.s32 $0xFFFFF000  }
0x49: {  	[tilespmem:s17], [sflag:$0x2] =	stream.linear.gather [hbm4b:s25+s4], $0x100, $0x38;
	[tilespmem:$0x1DC00] =	vst v63  }
0x4a: {  	_ =	swait.ge [sflag:s15], $0x100  }
0x4b: {  	[sflag:s15] =	ssyncset.done $0x0  }
0x4c: {  	[sflag:s15] =	ssyncadd.s32 $0xFFFFFF00  }
0x4d: {  	[tilespmem:s18], [sflag:$0x2] =	stream.linear.gather [hbm4b:s24+s4], $0x1000, $0x38;
	[tilespmem:$0x1DC00] =	vst v63  }
0x4e: {  	_ =	swait.ge [sflag:s15], $0x1000  }
0x4f: {  	[sflag:s15] =	ssyncset.done $0x0  }
0x50: {  	[sflag:s15] =	ssyncadd.s32 $0xFFFFF000  }
0x51: {  	[tilespmem:s20], [sflag:$0x1] =	stream.indirect.gather [hbm4b:s5+s19], $0x80, s17, s19, $0xb8;
	[tilespmem:$0x1DC00] =	vst v63  }
0x52: {  	_ =	swait.ge [sflag:s21], $0x4000  }
0x53: {  	[sflag:s21] =	ssyncset.done $0x0  }
0x54: {  	[sflag:s21] =	ssyncadd.s32 $0xFFFFC000  }
0x55: {  	[spmem:s2] =	stream.indirect.scatter.add.f32 [tilespmem:s20], [sflag:$0x2], $0x80, s22, s19, $0xb8;
	[tilespmem:$0x1DC00] =	vst v63  }
0x56: {  	_ =	swait.ge [sflag:s15], $0x4000  }
0x57: {  	[sflag:s15] =	ssyncset.done $0x0  }
0x58: {  	[sflag:s15] =	ssyncadd.s32 $0xFFFFC000  }
0x59: {  	[spmem:s3] =	stream.indirect.scatter.add.f32 [tilespmem:s18], [sflag:$0x2], $0x20, s22, s19, $0xb8;
	[tilespmem:$0x1DC00] =	vst v63  }
0x5a: {  	_ =	swait.ge [sflag:s15], $0x1000  }
0x5b: {  	[sflag:s15] =	ssyncset.done $0x0  }
0x5c: {  	[sflag:s15] =	ssyncadd.s32 $0xFFFFF000  }
0x5d: {  	[bflag:$0x0] =	sbarrier.arrive $0xFFFF  }
0x5e: {  	[hbm:s9], [sflag:s7] =	dma.local [spmem:s14], $0x2780  }
0x5f: {  	s23 =	sadd.s32 $0x1, s23;
	_ =	swait.ge [sflag:s15], $0x2780  }
0x60: {  	p0 =	sne.s32 s23, s11;
	[sflag:s15] =	ssyncset.done $0x0  }
.Ltmp1:
0x61: {  	[sflag:s15] =	ssyncadd.s32 $0xFFFFD880;
	(pc) =	sbr.rel @p0 .LBB2_1-.Ltmp1, $4  }
0x62: {  	[hbm:s10], [sflag:s7] =	dma.local [spmem:s16], $0x9E0  }
0x63: {  	_ =	swait.ge [sflag:s15], $0x9E0  }
0x64: {  	[sflag:s15] =	ssyncset.done $0x0  }
0x65: {  	[sflag:s15] =	ssyncadd.s32 $0xFFFFF620  }
0x66: {  	_ =	sfence.sel $0x180000  }
0x67: {  	[bflag:$0x0] =	sbarrier.arrive $0xFFFF  }
0x68: {  	p0 =	sne.s32 s1, $0x0;
	_ =	strace $0x9000004A  }
0x69: {  	s0 =	sadd.s32 @!p0 $0x100000, s0;
	[bflag:$0x2] =	sbarrier.arrive $0xFFFF  }
0x6a: {  	[sflag:s0] =	ssyncadd.tile.s32 @!p0 $0x1;
	_ =	shalt  }
.Lfunc_end2:
_tile_overlayer_lowered:
.L_overlay_start_2:
0x6b: {  	(tag) =	ssettag $0x2  }
0x6c: {  	s0 =	rddreg [dreg:$0x0];
	s2 =	stileid.u32  }
0x6d: {  	s1 =	rddreg [dreg:$0x1];
	p0 =	sne.s32 s2, $0x0  }
0x6e: {  	s3 =	rddreg [dreg:$0x2];
	[bflag:$0x3] =	sbarrier.arrive $0xFFFF;
	s2 =	simm.s32 @!p0 $0x1C02  }
0x6f: {  	[timem:s3], [sflag:s2] =	dma.local @!p0 [hbm:s0], s1  }
0x70: {  	s0 =	simm.s32 @!p0 $0x2  }
0x71: {  	_ =	swait.ge @!p0 [sflag:s0], s1  }
0x72: {  	s1 =	ssub.s32 @!p0 $0x0, s1;
	[sflag:s0] =	ssyncset.done @!p0 $0x0  }
0x73: {  	[sflag:s0] =	ssyncadd.s32 @!p0 s1  }
0x74: {  	[bflag:$0x3] =	sbarrier.arrive $0xFFFF  }
0x75: {  	_ =	shalt  }

// kernel: sparse-core-data-format-call.cloned.1.call-start
scs
called_computation_lowered:
.L_overlay_start_0:
0x0: {  	s1 =	sld [smem:$0x3FD9]  }
0x1: {  	s2 =	sld [smem:$0x3FFE];
	_ =	sdelay $0x1  }
0x2: {  	s3 =	srdreg.scid  }
0x3: {  	s0 =	sand.u32 $0x1, s3  }
0x4: {  	s17 =	sshll.u32 s0, $0xA;
	s1 =	sadd.s32 s2, s1  }
0x5: {  	s1 =	sadd.s32 s1, s17  }
0x6: {  	[smem:$0x3FB9] =	sst s1  }
0x7: {  	_ = 	snop  }
0x8: {  	(tm) =	ssettm $0x1  }
0x9: {  	s18 =	sld [smem:$0x3FFB];
	_ =	sdelay $0x3  }
0xa: {  	_ =	strace s18  }
0xb: {  	s1 =	sld [smem:$0x3FFC];
	_ =	sdelay $0x3  }
0xc: {  	_ =	strace s1  }
0xd: {  	s1 =	sld [smem:$0x3FFD];
	_ =	sdelay $0x3  }
0xe: {  	_ =	strace s1  }
0xf: {  	_ =	strace $0x8FFFFFFF  }
0x10: {  	s19 =	sld [smem:$0x3FDB];
	_ =	sdelay $0x1  }
0x11: {  	s20 =	simm.s32 $_scs_section_size  }
0x12: {  	s4 =	simm.s32 $_size__tile_overlayer_lowered;
	s5 =	simm.s32 $_tile_overlayer_lowered  }
0x13: {  	s23 =	simm.s32 $0x1BFF;
	s22 =	sshll.u32 s5, $0x1;
	s1 =	sadd.s32 s20, s19  }
0x14: {  	s6 =	simm.s32 $0x0;
	s21 =	sshll.u32 s4, $0x1;
	s4 =	sadd.s32 s22, s1  }
0x15: {  	[timem:s6], [sflag:s23] =	dma.local [hbm:s4], s21  }
0x16: {  	_ =	swait.ge [sflag:s23], s21  }
0x17: {  	s2 =	ssub.s32 $0x0, s21;
	[sflag:s23] =	ssyncset.done $0x0  }
0x18: {  	[sflag:s23] =	ssyncadd.s32 s2;
	_ =	sdelay $0x1  }
0x19: {  	s24 =	simm.s32 $0x1B8B  }
0x1a: {  	_ =	swait.ge [sflag:s24], $0x1  }
0x1b: {  	[sflag:s24] =	ssyncset.done $0x0  }
0x1c: {  	s26 =	simm.s32 $0x1B8E;
	s25 =	sld [smem:$0x3FFE];
	[sflag:s24] =	ssyncadd.s32 $0xFFFFFFFF  }
0x1d: {  	s27 =	simm.s32 $execute0_lowered;
	[smem:$0x3FD2] =	sst s26  }
0x1e: {  	s4 =	sshll.u32 s27, $0x1;
	_ =	strace $0x80000046;
	[dreg:$0x1] =	wrdreg $0xFFFFFFFF  }
0x1f: {  	s28 =	simm.s32 $_size_execute0_lowered;
	s1 =	sadd.s32 s1, s4;
	[dreg:$0x0] =	wrdreg $0x0  }
0x20: {  	s4 =	sshll.u32 s28, $0x1;
	[dreg:$0x2] =	wrdreg s1  }
0x21: {  	[dreg:$0x3] =	wrdreg s4  }
0x22: {  	[dreg:$0x4] =	wrdreg $0xC0  }
0x23: {  	_ =	task [dreg:s6], $0x5FFFF  }
0x24: {  	[dreg:$0x1] =	wrdreg $0xFFFFFFFF  }
0x25: {  	[dreg:$0x0] =	wrdreg $0x60  }
0x26: {  	[dreg:$0x2] =	wrdreg s25  }
0x27: {  	[dreg:$0x3] =	wrdreg $0x9  }
0x28: {  	_ =	task.clear_ibuf [dreg:s6], $0x4FFFF;
	_ =	strace $0x90000046  }
0x29: {  	s29 =	simm.s32 $0x9;
	_ =	strace $0x80000048  }
0x2a: {  	_ =	swait.ge [sflag:s29], $0x1  }
0x2b: {  	[sflag:s29] =	ssyncadd.s32 $0xFFFFFFFF  }
0x2c: {  	_ =	strace $0x90000048  }
0x2d: {  	_ =	sfence  }
0x2e: {  	s30 =	sld [smem:$0x0];
	_ =	sdelay $0x2  }
0x2f: {  	s31 =	sshll.u32 s3, $0xD;
	s3 =	sshrl.u32 s3, $0x2  }
0x30: {  	s2 =	sand.u32 $0x4000, s31;
	s1 =	sadd.s32 s3, s30  }
0x31: {  	s0 =	sor.u32 s2, s0;
	s1 =	sshll.u32 s1, $0x11  }
0x32: {  	s0 =	sor.u32 s1, s0  }
0x33: {  	s0 =	sadd.s32 $0x8F2B, s0  }
0x34: {  	[sflag:s0] =	ssyncadd.remote.s32 $0x1  }
0x35: {  	_ =	sfence.sel $0xFFFF  }
0x36: {  	[dreg:$0x0] =	wrdreg $0xFFFFFFFF;
	(pc) =	sbr.abs _section_cstart, $3  }
0x37: {  	[dreg:$0x1] =	wrdreg $0xFFFFFFFF  }
0x38: {  	_ =	task.clear_ibuf [dreg:s6], $0x2FFFF;
	_ =	strace $0x9FFFFFFF  }
0x39: {  	(tm) =	ssettm $0x7FFFFFFF  }
tec
execute0_lowered:
.L_overlay_start_1:
0x0: {  	(tag) =	ssettag $0x1  }
0x1: {  	s0 =	srdreg.scid  }
0x2: {  	s6 =	rddreg [dreg:$0x0];
	s7 =	simm.s32 $0x1;
	s1 =	sshll.u32 s0, $0x4  }
0x3: {  	s8 =	simm.s32 $0x2;
	s0 =	stileid.u32;
	s1 =	sand.u32 $0x10, s1  }
0x4: {  	s13 =	simm.s32 $0x0;
	s12 =	simm.s32 $0x0;
	s1 =	sor.u32 s0, s1  }
0x5: {  	s10 =	simm.s32 $0x0;
	s11 =	simm.s32 $0x0;
	s2 =	sshll.u32 s1, $0x9  }
0x6: {  	s3 =	sadd.s32 $0x3800, s6;
	s6 =	sadd.s32 $0x13C000, s6;
	s5 =	ssub.s32 $0x4E200, s2  }
.Ltmp0:
0x7: {  	s1 =	rddreg [dreg:$0x1];
	s4 =	sand.u32 $0x3E00, s5;
	(pc) =	sbr.rel .LBB1_1-.Ltmp0, $4  }
0x8: {  	_ =	strace $0x80000047;
	s9 =	smov.u32 s2;
	p0 =	sne.s32 s4, $0x0  }
0x9: {  	s5 =	sshrl.u32 s5, $0xE;
	s4 =	simm.s32 $0x1;
	s7 =	simm.s32 @!p0 $0x0  }
0xa: {  	[sflag:s4] =	ssyncpa.u1 $0x0;
	p0 =	por $0x0, $0x0;
	s5 =	sadd.s32 s7, s5  }
0xb: {  	[sflag:s8] =	ssyncpa.u1 $0x0;
	s8 =	simm.s32 $0x80;
	s7 =	sadd.s32 $0x1, s5  }
.LBB1_4:
0xc: {  	_ = 	snop  }
0xd: {  	[tilespmem:s18+$0x2D60 ss:$0x21] =	vst.msk $0xffff, v7  }
0xe: {  	[tilespmem:s18+$0x2F70 ss:$0x21] =	vst.msk $0xffff, v6  }
0xf: {  	[tilespmem:s18+$0x3390 ss:$0x21] =	vst.msk $0xffff, v3  }
0x10: {  	s21 =	sor.u32 s24, s23;
	v31 =	vld.idx.msk [tilespmem:v0+s16+$0xC70 ss:$0x1], $0xffff;
	[tilespmem:s18+$0x35A0 ss:$0x21] =	vst.msk $0xffff, v1  }
0x11: {  	[tilespmem:s18+$0x37B0 ss:$0x21] =	vst.msk $0xffff, v2;
	v43 =	vld.idx.msk [tilespmem:v0+s21+$0x410 ss:$0x1], $0xffff  }
0x12: {  	[tilespmem:s18+$0x39C0 ss:$0x21] =	vst.msk $0xffff, v4;
	v44 =	vld.idx.msk [tilespmem:v0+s21+$0x420 ss:$0x1], $0xffff  }
0x13: {  	[tilespmem:s18+$0x3BD0 ss:$0x21] =	vst.msk $0xffff, v5;
	s22 =	sand.u32 $0x3200, s21;
	v45 =	vld.idx.msk [tilespmem:v0+s21+$0x430 ss:$0x1], $0xffff  }
0x14: {  	s20 =	sand.u32 $0x180, s20;
	s25 =	sshra.s32 s19, $0x2;
	[tilespmem:s18+$0x3DE0 ss:$0x21] =	vst.msk $0xffff, v8;
	v46 =	vld.idx.msk [tilespmem:v0+s21+$0x440 ss:$0x1], $0xffff;
	s15 =	sadd.s32 s22, s15  }
0x15: {  	v47 =	vld.idx.msk [tilespmem:v0+s21+$0x450 ss:$0x1], $0xffff;
	s24 =	sadd.s32 s20, s15;
	s15 =	sadd.s32 s25, s17;
	[tilespmem:s18+$0x3FF0 ss:$0x21] =	vst.msk $0xffff, v31  }
0x16: {  	v48 =	vld.idx.msk [tilespmem:v0+s21+$0x460 ss:$0x1], $0xffff;
	[tilespmem:s15+$0x1290 ss:$0x21] =	vst.msk $0xffff, v43  }
0x17: {  	v49 =	vld.idx.msk [tilespmem:v0+s21+$0x470 ss:$0x1], $0xffff;
	[tilespmem:s15+$0x14A0 ss:$0x21] =	vst.msk $0xffff, v44  }
0x18: {  	v50 =	vld.idx.msk [tilespmem:v0+s21+$0x810 ss:$0x1], $0xffff;
	[tilespmem:s15+$0x16B0 ss:$0x21] =	vst.msk $0xffff, v45  }
0x19: {  	v51 =	vld.idx.msk [tilespmem:v0+s21+$0x820 ss:$0x1], $0xffff;
	[tilespmem:s15+$0x18C0 ss:$0x21] =	vst.msk $0xffff, v46  }
0x1a: {  	v52 =	vld.idx.msk [tilespmem:v0+s21+$0x830 ss:$0x1], $0xffff;
	[tilespmem:s15+$0x1AD0 ss:$0x21] =	vst.msk $0xffff, v47  }
0x1b: {  	v53 =	vld.idx.msk [tilespmem:v0+s21+$0x840 ss:$0x1], $0xffff;
	[tilespmem:s15+$0x1CE0 ss:$0x21] =	vst.msk $0xffff, v48  }
0x1c: {  	v54 =	vld.idx.msk [tilespmem:v0+s21+$0x850 ss:$0x1], $0xffff;
	[tilespmem:s15+$0x1EF0 ss:$0x21] =	vst.msk $0xffff, v49  }
0x1d: {  	v55 =	vld.idx.msk [tilespmem:v0+s21+$0x860 ss:$0x1], $0xffff;
	[tilespmem:s15+$0x2310 ss:$0x21] =	vst.msk $0xffff, v50  }
0x1e: {  	v56 =	vld.idx.msk [tilespmem:v0+s21+$0x870 ss:$0x1], $0xffff;
	[tilespmem:s15+$0x2520 ss:$0x21] =	vst.msk $0xffff, v51  }
0x1f: {  	v57 =	vld.idx.msk [tilespmem:v0+s21+$0xC10 ss:$0x1], $0xffff;
	[tilespmem:s15+$0x2730 ss:$0x21] =	vst.msk $0xffff, v52  }
0x20: {  	v58 =	vld.idx.msk [tilespmem:v0+s21+$0xC20 ss:$0x1], $0xffff;
	[tilespmem:s15+$0x2940 ss:$0x21] =	vst.msk $0xffff, v53  }
0x21: {  	v59 =	vld.idx.msk [tilespmem:v0+s21+$0xC30 ss:$0x1], $0xffff;
	[tilespmem:s15+$0x2B50 ss:$0x21] =	vst.msk $0xffff, v54  }
0x22: {  	v60 =	vld.idx.msk [tilespmem:v0+s21+$0xC40 ss:$0x1], $0xffff;
	[tilespmem:s15+$0x2D60 ss:$0x21] =	vst.msk $0xffff, v55  }
0x23: {  	v61 =	vld.idx.msk [tilespmem:v0+s21+$0xC50 ss:$0x1], $0xffff;
	[tilespmem:s15+$0x2F70 ss:$0x21] =	vst.msk $0xffff, v56  }
0x24: {  	v62 =	vld.idx.msk [tilespmem:v0+s21+$0xC60 ss:$0x1], $0xffff;
	[tilespmem:s15+$0x3390 ss:$0x21] =	vst.msk $0xffff, v57  }
0x25: {  	v63 =	vld.idx.msk [tilespmem:v0+s21+$0xC70 ss:$0x1], $0xffff;
	[tilespmem:s15+$0x35A0 ss:$0x21] =	vst.msk $0xffff, v58  }
0x26: {  	v32 =	vld [tilespmem:s24+$0xC00];
	[tilespmem:s15+$0x37B0 ss:$0x21] =	vst.msk $0xffff, v59  }
0x27: {  	v33 =	vld [tilespmem:s24+$0x0];
	[tilespmem:s15+$0x39C0 ss:$0x21] =	vst.msk $0xffff, v60  }
0x28: {  	v34 =	vld [tilespmem:s24+$0x10];
	[tilespmem:s15+$0x3BD0 ss:$0x21] =	vst.msk $0xffff, v61  }
0x29: {  	s13 =	sshll.u32 s13, $0x7;
	s26 =	sshll.u32 s12, $0x3;
	v35 =	vld [tilespmem:s24+$0x20];
	[tilespmem:s15+$0x3DE0 ss:$0x21] =	vst.msk $0xffff, v62  }
0x2a: {  	s27 =	sand.u32 $0xFFFFFC00, s13;
	s16 =	sand.u32 $0xFFFFFC00, s26;
	v36 =	vld [tilespmem:s24+$0x30];
	[tilespmem:s15+$0x3FF0 ss:$0x21] =	vst.msk $0xffff, v63  }
0x2b: {  	s13 =	sand.u32 $0x380, s13;
	s16 =	sadd.s32 s16, s27;
	v37 =	vld [tilespmem:s24+$0x40];
	[tilespmem:s15+$0x3180 ss:$0x21] =	vst.msk $0xffff, v32  }
0x2c: {  	s13 =	sor.u32 s13, s16;
	v38 =	vld [tilespmem:s24+$0x50];
	[tilespmem:s15+$0x0 ss:$0x21] =	vst.msk $0xffff, v33  }
0x2d: {  	v39 =	vld [tilespmem:s24+$0x60];
	s13 =	sshrl.u32 s13, $0x7;
	[tilespmem:s15+$0x210 ss:$0x21] =	vst.msk $0xffff, v34  }
0x2e: {  	v40 =	vld [tilespmem:s24+$0x70];
	s28 =	smulhi.u32 $0x1A36E2F, s13;
	[tilespmem:s15+$0x420 ss:$0x21] =	vst.msk $0xffff, v35  }
0x2f: {  	v41 =	vld [tilespmem:s24+$0x400];
	[tilespmem:s15+$0x630 ss:$0x21] =	vst.msk $0xffff, v36  }
0x30: {  	v42 =	vld [tilespmem:s24+$0x800];
	s16 =	sshrl.u32 s28, $0xB;
	[tilespmem:s15+$0x840 ss:$0x21] =	vst.msk $0xffff, v37  }
0x31: {  	s16 =	smul.u32 $0x4E200, s16;
	[tilespmem:s15+$0xA50 ss:$0x21] =	vst.msk $0xffff, v38  }
0x32: {  	s29 =	sshrl.u32 s12, $0x3;
	[tilespmem:s15+$0xC60 ss:$0x21] =	vst.msk $0xffff, v39  }
0x33: {  	s31 =	sand.u32 $0x7, s12;
	s30 =	sand.u32 $0xF, s29;
	[tilespmem:s15+$0xE70 ss:$0x21] =	vst.msk $0xffff, v40;
	s13 =	ssub.s32 s13, s16  }
0x34: {  	s12 =	sshll.u32 s31, $0x12;
	[tilespmem:s15+$0x1080 ss:$0x21] =	vst.msk $0xffff, v41;
	s16 =	sadd.s32 s6, s30;
	s13 =	sshll.u32 s13, $0x4  }
0x35: {  	s12 =	sor.u32 $0x20, s12;
	[tilespmem:s15+$0x2100 ss:$0x21] =	vst.msk $0xffff, v42;
	s13 =	sadd.s32 s13, s16  }
0x36: {  	[hbm4b:s13+s12] =	stream.strided.scatter [tilespmem:s14], [sflag:$0x2], $0x4000, s8, s12, $0x10;
	[tilespmem:$0x10400] =	vst v63  }
.LBB1_5:
0x37: {  	s14 =	sadd.s32 $0x4000, s9  }
0x38: {  	s12 =	sadd.s32 $0x20, s10;
	s16 =	smov.u32 s10;
	p2 =	sgt.s32 s14, $0x4E1FF  }
0x39: {  	s16 =	smov.u32 @p2 s12  }
0x3a: {  	s14 =	smov.u32 @p2 s2;
	p2 =	sgt.s32 s16, $0x1F  }
0x3b: {  	s16 =	simm.s32 @p2 $0x0;
	p2 =	sne.s32 s11, s7  }
.Ltmp1:
0x3c: {  	p1 =	slt.u32 s11, $0x2;
	(pc) =	sbr.rel @!p2 .LBB1_6-.Ltmp1, $4  }
0x3d: {  	s15 =	simm.s32 @!p1 $0x2  }
0x3e: {  	s13 =	smov.u32 s9;
	p0 =	por !p0, !p0;
	_ =	swait.ge @!p1 [sflag:s15], $0x4000  }
0x3f: {  	s12 =	smov.u32 s10;
	[sflag:s15] =	ssyncset.done @!p1 $0x0;
	s9 =	smov.u32 s14  }
0x40: {  	s11 =	sadd.s32 $0x1, s11;
	[sflag:s15] =	ssyncadd.s32 @!p1 $0xFFFFC000;
	s10 =	smov.u32 s16  }
.LBB1_1:
0x41: {  	p1 =	sge.u32 s11, s5  }
0x42: {  	s14 =	sshrl.u32 @!p1 s10, $0x3  }
0x43: {  	s15 =	sshll.u32 @!p1 s9, $0x3;
	s14 =	smul.u32 @!p1 $0x271000, s14  }
0x44: {  	s16 =	sshll.u32 @!p1 s10, $0x7;
	s15 =	sand.u32 @!p1 $0xFFFFFC00, s15  }
0x45: {  	s14 =	sadd.s32 @!p1 s14, s15;
	s15 =	sand.u32 @!p1 $0x380, s16  }
0x46: {  	s16 =	sand.u32 @!p1 $0x7F, s9;
	s14 =	sor.u32 @!p1 s15, s14  }
0x47: {  	s15 =	sor.u32 @!p1 s16, s14  }
0x48: {  	s16 =	smulhi.u32 @!p1 $0xD1B71759, s15;
	_ =	sdelay $0x1  }
0x49: {  	s14 =	smulhi.u32 @!p1 $0xD1B71759, s14;
	s16 =	sshrl.u32 @!p1 s16, $0x12  }
0x4a: {  	s16 =	smul.u32 @!p1 $0x4E200, s16  }
0x4b: {  	s31 =	sadd.s32 $0xFFFFFFFF, s11;
	s17 =	sxor.u32 @!p1 $0xFFFFFFFF, s11;
	s14 =	sshrl.u32 @!p1 s14, $0x12  }
0x4c: {  	s17 =	sshll.u32 @!p1 s17, $0xE;
	s14 =	sand.u32 @!p1 $0x1F, s14;
	s15 =	ssub.s32 @!p1 s15, s16  }
0x4d: {  	s14 =	smul.u32 @!p1 $0x9C40, s14;
	s16 =	sshrl.u32 @!p1 s15, $0x3;
	s15 =	sand.u32 @!p1 $0x7, s15  }
0x4e: {  	s17 =	sand.u32 @!p1 $0x4000, s17;
	s16 =	sadd.s32 @!p1 s3, s16;
	s15 =	sshll.u32 @!p1 s15, $0x12  }
0x4f: {  	s14 =	sadd.s32 @!p1 s14, s16;
	s15 =	sor.u32 @!p1 $0x1000, s15;
	s16 =	simm.s32 @!p1 $0x271000  }
0x50: {  	[tilespmem:s17], [sflag:$0x1] =	stream.strided.gather @!p1 [hbm4b:s14+s15], $0x4000, s16, s15, $0x38;
	[tilespmem:$0x10400] =	vst v63  }
0x51: {  	p1 =	sge.u32 s31, s5  }
.Ltmp2:
0x52: {  	_ = 	snop;
	(pc) =	sbr.rel @p1 .LBB1_5-.Ltmp2, $1  }
0x53: {  	_ =	sdelay $0x3  }
0x54: {  	s17 =	simm.s32 $0x0  }
0x55: {  	s16 =	sand.u32 $0x3000, s17;
	s18 =	sand.u32 $0x380, s17  }
0x56: {  	s14 =	sand.u32 $0x1, s11;
	s16 =	sor.u32 s18, s16  }
0x57: {  	_ =	swait.ge [sflag:s4], $0x4000;
	s15 =	sshll.u32 s14, $0xE;
	s18 =	sand.u32 $0x3200, s16  }
0x58: {  	[sflag:s4] =	ssyncset.done $0x0;
	s17 =	sand.u32 $0x180, s17;
	s18 =	sadd.s32 s18, s15  }
0x59: {  	[sflag:s4] =	ssyncadd.s32 $0xFFFFC000;
	s20 =	sadd.s32 s17, s18  }
0x5a: {  	v4 =	vld [tilespmem:s20+$0xC00]  }
0x5b: {  	s19 =	simm.s32 $0x1;
	v0 =	vmov s15;
	v5 =	vld [tilespmem:s20+$0x0]  }
0x5c: {  	s19 =	simm.s32 @!p0 $0x0;
	v6 =	vld [tilespmem:s20+$0x10]  }
0x5d: {  	s31 =	smul.u32 $0x10800, s19;
	v7 =	vld [tilespmem:s20+$0x20]  }
0x5e: {  	v8 =	vld [tilespmem:s20+$0x30]  }
0x5f: {  	s17 =	sshrl.u32 s31, $0x2;
	v9 =	vld [tilespmem:s20+$0x40]  }
0x60: {  	s17 =	sor.u32 $0x8000, s17;
	v1 =	vld.idx.msk [tilespmem:v0+s16+$0x410 ss:$0x1], $0xffff  }
0x61: {  	v2 =	vld.idx.msk [tilespmem:v0+s16+$0x420 ss:$0x1], $0xffff;
	s18 =	sadd.s32 $0x0, s17  }
0x62: {  	v3 =	vld.idx.msk [tilespmem:v0+s16+$0x430 ss:$0x1], $0xffff;
	[tilespmem:s18+$0x3180 ss:$0x21] =	vst.msk $0xffff, v4  }
0x63: {  	v10 =	vld.idx.msk [tilespmem:v0+s16+$0x820 ss:$0x1], $0xffff;
	[tilespmem:s18+$0x0 ss:$0x21] =	vst.msk $0xffff, v5  }
0x64: {  	v11 =	vld.idx.msk [tilespmem:v0+s16+$0x830 ss:$0x1], $0xffff;
	[tilespmem:s18+$0x210 ss:$0x21] =	vst.msk $0xffff, v6  }
0x65: {  	v12 =	vld.idx.msk [tilespmem:v0+s16+$0x840 ss:$0x1], $0xffff;
	[tilespmem:s18+$0x420 ss:$0x21] =	vst.msk $0xffff, v7  }
0x66: {  	v13 =	vld.idx.msk [tilespmem:v0+s16+$0x850 ss:$0x1], $0xffff;
	[tilespmem:s18+$0x630 ss:$0x21] =	vst.msk $0xffff, v8  }
0x67: {  	v4 =	vld [tilespmem:s20+$0x50];
	[tilespmem:s18+$0x840 ss:$0x21] =	vst.msk $0xffff, v9  }
0x68: {  	v5 =	vld [tilespmem:s20+$0x60];
	[tilespmem:s18+$0x1290 ss:$0x21] =	vst.msk $0xffff, v1  }
0x69: {  	v6 =	vld [tilespmem:s20+$0x70];
	[tilespmem:s18+$0x14A0 ss:$0x21] =	vst.msk $0xffff, v2  }
0x6a: {  	v7 =	vld [tilespmem:s20+$0x400];
	[tilespmem:s18+$0x16B0 ss:$0x21] =	vst.msk $0xffff, v3  }
0x6b: {  	v8 =	vld [tilespmem:s20+$0x800];
	[tilespmem:s18+$0x2520 ss:$0x21] =	vst.msk $0xffff, v10  }
0x6c: {  	v9 =	vld.idx.msk [tilespmem:v0+s16+$0x470 ss:$0x1], $0xffff;
	[tilespmem:s18+$0x2730 ss:$0x21] =	vst.msk $0xffff, v11  }
0x6d: {  	v3 =	vld.idx.msk [tilespmem:v0+s16+$0xC10 ss:$0x1], $0xffff;
	[tilespmem:s18+$0x2940 ss:$0x21] =	vst.msk $0xffff, v12  }
0x6e: {  	v1 =	vld.idx.msk [tilespmem:v0+s16+$0xC20 ss:$0x1], $0xffff;
	[tilespmem:s18+$0x2B50 ss:$0x21] =	vst.msk $0xffff, v13  }
0x6f: {  	v2 =	vld.idx.msk [tilespmem:v0+s16+$0xC30 ss:$0x1], $0xffff;
	[tilespmem:s18+$0xA50 ss:$0x21] =	vst.msk $0xffff, v4  }
0x70: {  	[tilespmem:s18+$0xE70 ss:$0x21] =	vst.msk $0xffff, v6;
	v6 =	vld.idx.msk [tilespmem:v0+s16+$0x460 ss:$0x1], $0xffff  }
0x71: {  	v4 =	vld.idx.msk [tilespmem:v0+s16+$0x440 ss:$0x1], $0xffff;
	[tilespmem:s18+$0xC60 ss:$0x21] =	vst.msk $0xffff, v5  }
0x72: {  	v5 =	vld.idx.msk [tilespmem:v0+s16+$0x450 ss:$0x1], $0xffff;
	[tilespmem:s18+$0x1080 ss:$0x21] =	vst.msk $0xffff, v7  }
0x73: {  	[tilespmem:s18+$0x2100 ss:$0x21] =	vst.msk $0xffff, v8;
	v8 =	vld.idx.msk [tilespmem:v0+s16+$0x810 ss:$0x1], $0xffff  }
0x74: {  	v7 =	vld.idx.msk [tilespmem:v0+s16+$0x860 ss:$0x1], $0xffff;
	[tilespmem:s18+$0x1EF0 ss:$0x21] =	vst.msk $0xffff, v9  }
0x75: {  	s14 =	smul.u32 $0x10800, s14;
	[tilespmem:s18+$0x1CE0 ss:$0x21] =	vst.msk $0xffff, v6;
	v6 =	vld.idx.msk [tilespmem:v0+s16+$0x870 ss:$0x1], $0xffff  }
0x76: {  	s21 =	simm.s32 $0x200;
	s22 =	simm.s32 $0x8;
	[tilespmem:s18+$0x18C0 ss:$0x21] =	vst.msk $0xffff, v4;
	v4 =	vld.idx.msk [tilespmem:v0+s16+$0xC40 ss:$0x1], $0xffff  }
0x77: {  	s23 =	sand.u32 $0x3000, s21;
	s14 =	sshrl.u32 s14, $0x2;
	s20 =	simm.s32 $0x80;
	[tilespmem:s18+$0x1AD0 ss:$0x21] =	vst.msk $0xffff, v5;
	v5 =	vld.idx.msk [tilespmem:v0+s16+$0xC50 ss:$0x1], $0xffff  }
0x78: {  	s19 =	simm.s32 $0x4;
	s14 =	sor.u32 $0x8000, s14;
	s24 =	sand.u32 $0x380, s20;
	[tilespmem:s18+$0x2310 ss:$0x21] =	vst.msk $0xffff, v8;
	v8 =	vld.idx.msk [tilespmem:v0+s16+$0xC60 ss:$0x1], $0xffff  }
.LBB1_3:
0x79: {  	p1 =	sne.s32 s22, $0x7C;
	[tilespmem:s18+$0x2D60 ss:$0x21] =	vst.msk $0xffff, v7;
	v7 =	vld.idx.msk [tilespmem:v0+s16+$0xC70 ss:$0x1], $0xffff;
	s16 =	sor.u32 s24, s23  }
0x7a: {  	s23 =	sand.u32 $0x3200, s16;
	v9 =	vld.idx.msk [tilespmem:v0+s16+$0x410 ss:$0x1], $0xffff;
	[tilespmem:s18+$0x2F70 ss:$0x21] =	vst.msk $0xffff, v6  }
0x7b: {  	s24 =	sand.u32 $0x180, s20;
	s23 =	sadd.s32 s23, s15;
	v6 =	vld.idx.msk [tilespmem:v0+s16+$0x420 ss:$0x1], $0xffff;
	[tilespmem:s18+$0x3390 ss:$0x21] =	vst.msk $0xffff, v3  }
0x7c: {  	s23 =	sadd.s32 s24, s23;
	v3 =	vld.idx.msk [tilespmem:v0+s16+$0x430 ss:$0x1], $0xffff;
	[tilespmem:s18+$0x35A0 ss:$0x21] =	vst.msk $0xffff, v1  }
0x7d: {  	v1 =	vld [tilespmem:s23+$0xC00];
	[tilespmem:s18+$0x37B0 ss:$0x21] =	vst.msk $0xffff, v2  }
0x7e: {  	v2 =	vld [tilespmem:s23+$0x0];
	[tilespmem:s18+$0x39C0 ss:$0x21] =	vst.msk $0xffff, v4  }
0x7f: {  	v4 =	vld [tilespmem:s23+$0x10];
	[tilespmem:s18+$0x3BD0 ss:$0x21] =	vst.msk $0xffff, v5  }
0x80: {  	s24 =	sshra.s32 s19, $0x2;
	s19 =	smov.u32 s22;
	v5 =	vld [tilespmem:s23+$0x20];
	[tilespmem:s18+$0x3DE0 ss:$0x21] =	vst.msk $0xffff, v8  }
0x81: {  	v8 =	vld [tilespmem:s23+$0x30];
	[tilespmem:s18+$0x3FF0 ss:$0x21] =	vst.msk $0xffff, v7;
	s18 =	sadd.s32 s24, s17  }
0x82: {  	v7 =	vld [tilespmem:s23+$0x40];
	[tilespmem:s18+$0x3180 ss:$0x21] =	vst.msk $0xffff, v1  }
0x83: {  	[tilespmem:s18+$0x0 ss:$0x21] =	vst.msk $0xffff, v2;
	v1 =	vld [tilespmem:s23+$0x50]  }
0x84: {  	[tilespmem:s18+$0x210 ss:$0x21] =	vst.msk $0xffff, v4;
	v2 =	vld [tilespmem:s23+$0x60]  }
0x85: {  	[tilespmem:s18+$0x420 ss:$0x21] =	vst.msk $0xffff, v5;
	v4 =	vld [tilespmem:s23+$0x70]  }
0x86: {  	[tilespmem:s18+$0x630 ss:$0x21] =	vst.msk $0xffff, v8;
	v5 =	vld [tilespmem:s23+$0x400]  }
0x87: {  	[tilespmem:s18+$0x840 ss:$0x21] =	vst.msk $0xffff, v7;
	v7 =	vld [tilespmem:s23+$0x800]  }
0x88: {  	[tilespmem:s18+$0xA50 ss:$0x21] =	vst.msk $0xffff, v1;
	v1 =	vld.idx.msk [tilespmem:v0+s16+$0x440 ss:$0x1], $0xffff  }
0x89: {  	[tilespmem:s18+$0xC60 ss:$0x21] =	vst.msk $0xffff, v2;
	v2 =	vld.idx.msk [tilespmem:v0+s16+$0x450 ss:$0x1], $0xffff  }
0x8a: {  	[tilespmem:s18+$0xE70 ss:$0x21] =	vst.msk $0xffff, v4;
	v4 =	vld.idx.msk [tilespmem:v0+s16+$0x460 ss:$0x1], $0xffff  }
0x8b: {  	[tilespmem:s18+$0x1080 ss:$0x21] =	vst.msk $0xffff, v5;
	v5 =	vld.idx.msk [tilespmem:v0+s16+$0x470 ss:$0x1], $0xffff  }
0x8c: {  	[tilespmem:s18+$0x2100 ss:$0x21] =	vst.msk $0xffff, v7;
	v8 =	vld.idx.msk [tilespmem:v0+s16+$0x810 ss:$0x1], $0xffff  }
0x8d: {  	[tilespmem:s18+$0x1290 ss:$0x21] =	vst.msk $0xffff, v9;
	v9 =	vld.idx.msk [tilespmem:v0+s16+$0x820 ss:$0x1], $0xffff  }
0x8e: {  	[tilespmem:s18+$0x14A0 ss:$0x21] =	vst.msk $0xffff, v6;
	v10 =	vld.idx.msk [tilespmem:v0+s16+$0x830 ss:$0x1], $0xffff  }
0x8f: {  	[tilespmem:s18+$0x16B0 ss:$0x21] =	vst.msk $0xffff, v3;
	v11 =	vld.idx.msk [tilespmem:v0+s16+$0x840 ss:$0x1], $0xffff  }
0x90: {  	[tilespmem:s18+$0x18C0 ss:$0x21] =	vst.msk $0xffff, v1;
	v12 =	vld.idx.msk [tilespmem:v0+s16+$0x850 ss:$0x1], $0xffff  }
0x91: {  	[tilespmem:s18+$0x1AD0 ss:$0x21] =	vst.msk $0xffff, v2;
	v7 =	vld.idx.msk [tilespmem:v0+s16+$0x860 ss:$0x1], $0xffff  }
0x92: {  	[tilespmem:s18+$0x1CE0 ss:$0x21] =	vst.msk $0xffff, v4;
	v6 =	vld.idx.msk [tilespmem:v0+s16+$0x870 ss:$0x1], $0xffff  }
0x93: {  	[tilespmem:s18+$0x1EF0 ss:$0x21] =	vst.msk $0xffff, v5;
	v3 =	vld.idx.msk [tilespmem:v0+s16+$0xC10 ss:$0x1], $0xffff  }
.Ltmp3:
0x94: {  	[tilespmem:s18+$0x2310 ss:$0x21] =	vst.msk $0xffff, v8;
	v1 =	vld.idx.msk [tilespmem:v0+s16+$0xC20 ss:$0x1], $0xffff;
	(pc) =	sbr.rel @p1 .LBB1_3-.Ltmp3, $4  }
0x95: {  	[tilespmem:s18+$0x2520 ss:$0x21] =	vst.msk $0xffff, v9;
	v2 =	vld.idx.msk [tilespmem:v0+s16+$0xC30 ss:$0x1], $0xffff  }
0x96: {  	[tilespmem:s18+$0x2730 ss:$0x21] =	vst.msk $0xffff, v10;
	v4 =	vld.idx.msk [tilespmem:v0+s16+$0xC40 ss:$0x1], $0xffff  }
0x97: {  	s20 =	sadd.s32 $0x80, s20;
	s21 =	sadd.s32 $0x200, s21;
	[tilespmem:s18+$0x2940 ss:$0x21] =	vst.msk $0xffff, v11;
	v5 =	vld.idx.msk [tilespmem:v0+s16+$0xC50 ss:$0x1], $0xffff  }
0x98: {  	s22 =	sadd.s32 $0x4, s22;
	s24 =	sand.u32 $0x380, s20;
	s23 =	sand.u32 $0x3000, s21;
	[tilespmem:s18+$0x2B50 ss:$0x21] =	vst.msk $0xffff, v12;
	v8 =	vld.idx.msk [tilespmem:v0+s16+$0xC60 ss:$0x1], $0xffff  }
.Ltmp4:
0x99: {  	_ = 	snop;
	(pc) =	sbr.rel .LBB1_4-.Ltmp4, $1  }
0x9a: {  	_ =	sdelay $0x3  }
.LBB1_6:
0x9b: {  	_ =	sfence.sel $0x180000  }
0x9c: {  	s2 =	simm.s32 $0x1;
	[bflag:$0x0] =	sbarrier.arrive $0xFFFF  }
0x9d: {  	s31 =	simm.s32 $0x2;
	[sflag:s2] =	ssyncpa.u1 $0x1  }
0x9e: {  	[sflag:s31] =	ssyncpa.u1 $0x1  }
0x9f: {  	p0 =	sne.s32 s0, $0x0;
	_ =	strace $0x90000047  }
0xa0: {  	s0 =	sadd.s32 @!p0 $0x100000, s1;
	[bflag:$0x2] =	sbarrier.arrive $0xFFFF  }
0xa1: {  	[sflag:s0] =	ssyncadd.tile.s32 @!p0 $0x1;
	_ =	shalt  }
.Lfunc_end1:
_tile_overlayer_lowered:
.L_overlay_start_2:
0xa2: {  	(tag) =	ssettag $0x2  }
0xa3: {  	s0 =	rddreg [dreg:$0x0];
	s2 =	stileid.u32  }
0xa4: {  	s1 =	rddreg [dreg:$0x1];
	p0 =	sne.s32 s2, $0x0  }
0xa5: {  	s3 =	rddreg [dreg:$0x2];
	[bflag:$0x3] =	sbarrier.arrive $0xFFFF;
	s2 =	simm.s32 @!p0 $0x1C01  }
0xa6: {  	[timem:s3], [sflag:s2] =	dma.local @!p0 [hbm:s0], s1  }
0xa7: {  	s0 =	simm.s32 @!p0 $0x1  }
0xa8: {  	_ =	swait.ge @!p0 [sflag:s0], s1  }
0xa9: {  	s1 =	ssub.s32 @!p0 $0x0, s1;
	[sflag:s0] =	ssyncset.done @!p0 $0x0  }
0xaa: {  	[sflag:s0] =	ssyncadd.s32 @!p0 s1  }
0xab: {  	[bflag:$0x3] =	sbarrier.arrive $0xFFFF  }
0xac: {  	_ =	shalt  }

</sc_bundles>
